<compile_context>
chip_gen: v7x
topology: tpu7x:2x2x1
jax: 0.10.2.dev20260603
libtpu: 0.0.44.dev20260713+nightly
codegen_flags: <defaults>
</compile_context>

<pallas_src>
import functools

import jax
import jax.numpy as jnp
from jax import lax
from jax.experimental import pallas as pl
from jax.experimental.pallas import tpu as pltpu
from jax.experimental.pallas import tpu_sc as plsc

VOCAB = 1000
EMB = 128
BATCH = 4096
HIST = 50

B = BATCH * HIST
NC = 2
NS = 16
NW = NC * NS
CH = BATCH // NW
NCH = HIST
NB = 4
NP = NCH // NB
TAIL = NCH - NP * NB


def _embed_flat(idxT, W):
    mesh = plsc.VectorSubcoreMesh(core_axis_name="c", subcore_axis_name="s")

    @functools.partial(
        pl.kernel,
        mesh=mesh,
        out_type=jax.ShapeDtypeStruct((B, EMB), jnp.float32),
        scratch_types=[
            pltpu.VMEM((NCH, CH), jnp.int32),
            pltpu.VMEM((NB, CH, EMB), jnp.float32),
            pltpu.VMEM_SHARED((VOCAB, EMB), jnp.float32),
            pltpu.SemaphoreType.DMA((NB,)),
            pltpu.SemaphoreType.DMA((NB,)),
        ],
    )
    def k(table_hbm, idx_hbm, out_hbm, idx_v, bufs, tab_sh, gsem, ssem):
        cid = lax.axis_index("c")
        sid = lax.axis_index("s")
        wid = sid * NC + cid
        col = wid * CH

        @pl.when(sid == 0)
        def _():
            pltpu.sync_copy(table_hbm, tab_sh)

        pltpu.sync_copy(idx_hbm.at[:, pl.ds(col, CH)], idx_v)
        plsc.subcore_barrier()

        def gather(j, b):
            pltpu.async_copy(tab_sh.at[idx_v.at[j]], bufs.at[b], gsem.at[b])

        def store(j, b):
            dst = out_hbm.at[pl.ds(j * BATCH + col, CH)]
            pltpu.async_copy(bufs.at[b], dst, ssem.at[b])
            return dst

        for b in range(NB):
            gather(b, b)

        def body(p, carry):
            for b in range(NB):
                j = p * NB + b
                pltpu.make_async_copy(
                    tab_sh.at[idx_v.at[j]], bufs.at[b], gsem.at[b]
                ).wait()
                dst = store(j, b)
                pltpu.make_async_copy(bufs.at[b], dst, ssem.at[b]).wait()
                gather(j + NB, b)
            return carry

        lax.fori_loop(0, NP - 1, body, 0)

        for t in range(NB + TAIL):
            j = (NP - 1) * NB + t
            b = t % NB
            pltpu.make_async_copy(
                tab_sh.at[idx_v.at[j]], bufs.at[b], gsem.at[b]
            ).wait()
            dst = store(j, b)
            pltpu.make_async_copy(bufs.at[b], dst, ssem.at[b]).wait()
            if t + NB < NB + TAIL:
                gather(j + NB, b)

    return k(W, idxT)


def kernel(input, W):
    out = _embed_flat(input.T, W)
    return out.reshape(HIST, BATCH, EMB).transpose(1, 0, 2)

# --- scband reference (transcript-rebuilt; emitter-appended) ---
"""Pipeline reference for scband-token-embedder-66013647340158 (READ-ONLY COPY).

The authoritative reference and input builder live on the scoring server;
editing this copy changes nothing except your own understanding.
"""

import jax, jax.numpy as jnp
import numpy as np

VOCAB = 1000
EMB_DIM = 128
BATCH = 4096
HIST = 50

def setup_inputs(seed: int = 0) -> dict:
    key = jax.random.key(seed)
    k1, k2 = jax.random.split(key)
    # int64 spec; jax defaults to int32 unless x64 enabled, which is fine for indexing
    inp = jax.random.randint(k1, (BATCH, HIST), 0, VOCAB, dtype=jnp.int32)
    # nn.Embedding weight after .uniform_(-1, 1); note the pad row is ALSO uniform
    # because the original code overwrites all rows after construction.
    W = jax.random.uniform(k2, (VOCAB, EMB_DIM), minval=-1.0, maxval=1.0, dtype=jnp.float32)
    return {"input": inp, "W": W}

def reference(input, W):
    # TokenEmbedder.forward: return self.embeddings(input)
    return jnp.take(W, input, axis=0)

if __name__ == "__main__":
    import jax
    _d = setup_inputs()
    print(jax.jit(kernel)(*tuple(_d.values())))

</pallas_src>

<mosaic_0001>
#map = affine_map<(d0, d1) -> (0, 0)>
module attributes {stable_mosaic.version = 14 : i64} {
  func.func @k(%arg0: i32, %arg1: i32, %arg2: memref<1000x128xf32, #tpu.memory_space<hbm>>, %arg3: memref<50x4096xi32, #tpu.memory_space<hbm>>, %arg4: memref<204800x128xf32, #tpu.memory_space<hbm>>, %arg5: memref<50x128xi32, #tpu.memory_space<vmem>>, %arg6: memref<4x128x128xf32, #tpu.memory_space<vmem>>, %arg7: memref<1000x128xf32, #tpu.memory_space<vmem_shared>>, %arg8: memref<4x!tpu.dma_semaphore, #tpu.memory_space<semaphore_mem>>, %arg9: memref<4x!tpu.dma_semaphore, #tpu.memory_space<semaphore_mem>>) attributes {dimension_semantics = [#tpu.dimension_semantics<core_parallel>, #tpu.dimension_semantics<subcore_parallel>], iteration_bounds = array<i64: 2, 16>, scalar_prefetch = 0 : i64, scratch_operands = 5 : i64, tpu.core_type = #tpu.core_type<sc_vector_subcore>, window_params = [{transform_indices = #map}, {transform_indices = #map}, {transform_indices = #map}]} {
    %mul3A = arith.constant 2 : i32
    %mul3A_0 = arith.muli %arg1, %mul3A : i32
    %add3A = arith.addi %mul3A_0, %arg0 : i32
    %mul3A_1 = arith.constant 128 : i32
    %mul3A_2 = arith.muli %add3A, %mul3A_1 : i32
    %eq3A = arith.constant 0 : i32
    %eq3A_3 = arith.cmpi eq, %arg1, %eq3A : i32
    %convert_element_type3A = arith.extui %eq3A_3 : i1 to i32
    %cond3A = arith.constant 0 : i32
    %cond3A_4 = arith.cmpi ne, %convert_element_type3A, %cond3A : i32
    scf.if %cond3A_4 {
      "tpu.region"() ({
        %run_scoped3A = tpu.sem_alloc : memref<!tpu.dma_semaphore, #tpu.memory_space<semaphore_mem>>
        tpu.enqueue_dma source(%arg2 : memref<1000x128xf32, #tpu.memory_space<hbm>>) target(%arg7 : memref<1000x128xf32, #tpu.memory_space<vmem_shared>>) target_semaphore(%run_scoped3A : memref<!tpu.dma_semaphore, #tpu.memory_space<semaphore_mem>>)
        tpu.wait_dma2 semaphore(%run_scoped3A : memref<!tpu.dma_semaphore, #tpu.memory_space<semaphore_mem>>) src(%arg2 : memref<1000x128xf32, #tpu.memory_space<hbm>>) dst(%arg7 : memref<1000x128xf32, #tpu.memory_space<vmem_shared>>)
        tpu.yield
      }) : () -> ()
    } else {
    }
    "tpu.region"() ({
      %run_scoped3A = tpu.sem_alloc : memref<!tpu.dma_semaphore, #tpu.memory_space<semaphore_mem>>
      %dma_start3A_392 = arith.constant 0 : i32
      %dma_start3A_393 = tpu.memref_slice %arg3[%dma_start3A_392, %mul3A_2] : memref<50x4096xi32, #tpu.memory_space<hbm>> -> memref<50x128xi32, #tpu.memory_space<hbm>>
      %dma_start3A_394 = arith.constant 0 : i32
      %dma_start3A_395 = tpu.memref_slice %arg3[%dma_start3A_394, %mul3A_2] : memref<50x4096xi32, #tpu.memory_space<hbm>> -> memref<50x128xi32, #tpu.memory_space<hbm>>
      tpu.enqueue_dma source(%dma_start3A_395 : memref<50x128xi32, #tpu.memory_space<hbm>>) target(%arg5 : memref<50x128xi32, #tpu.memory_space<vmem>>) target_semaphore(%run_scoped3A : memref<!tpu.dma_semaphore, #tpu.memory_space<semaphore_mem>>)
      %dma_wait3A_396 = arith.constant 0 : i32
      %dma_wait3A_397 = tpu.memref_slice %arg3[%dma_wait3A_396, %mul3A_2] : memref<50x4096xi32, #tpu.memory_space<hbm>> -> memref<50x128xi32, #tpu.memory_space<hbm>>
      %dma_wait3A_398 = arith.constant 0 : i32
      %dma_wait3A_399 = tpu.memref_slice %arg3[%dma_wait3A_398, %mul3A_2] : memref<50x4096xi32, #tpu.memory_space<hbm>> -> memref<50x128xi32, #tpu.memory_space<hbm>>
      tpu.wait_dma2 semaphore(%run_scoped3A : memref<!tpu.dma_semaphore, #tpu.memory_space<semaphore_mem>>) src(%dma_wait3A_399 : memref<50x128xi32, #tpu.memory_space<hbm>>) dst(%arg5 : memref<50x128xi32, #tpu.memory_space<vmem>>)
      tpu.yield
    }) : () -> ()
    %barrier3A = arith.constant 0 : index
    tpu.barrier barrier_id(%barrier3A)
    %dma_start3A = arith.constant 0 : i32
    %dma_start3A_5 = arith.constant 0 : i32
    %dma_start3A_6 = arith.constant 0 : i32
    %dma_start3A_7 = arith.constant 0 : i32
    %dma_start3A_8 = arith.constant 0 : i32
    %dma_start3A_9 = tpu.memref_slice %arg6[%dma_start3A_5, %dma_start3A_7, %dma_start3A_8] : memref<4x128x128xf32, #tpu.memory_space<vmem>> -> memref<1x128x128xf32, #tpu.memory_space<vmem>>
    %dma_start3A_10 = tpu.memref_squeeze %dma_start3A_9 : memref<1x128x128xf32, #tpu.memory_space<vmem>> -> memref<128x128xf32, #tpu.memory_space<vmem>>
    %dma_start3A_11 = arith.constant 0 : i32
    %dma_start3A_12 = tpu.memref_slice %arg5[%dma_start3A, %dma_start3A_11] : memref<50x128xi32, #tpu.memory_space<vmem>> -> memref<1x128xi32, #tpu.memory_space<vmem>>
    %dma_start3A_13 = tpu.memref_squeeze %dma_start3A_12 : memref<1x128xi32, #tpu.memory_space<vmem>> -> memref<128xi32, #tpu.memory_space<vmem>>
    %dma_start3A_14 = arith.constant 0 : i32
    %dma_start3A_15 = arith.constant 0 : i32
    %dma_start3A_16 = tpu.memref_slice %arg7[%dma_start3A_14, %dma_start3A_15] : memref<1000x128xf32, #tpu.memory_space<vmem_shared>> -> memref<1000x128xf32, #tpu.memory_space<vmem_shared>>
    %dma_start3A_17 = tpu.memref_slice %arg8[%dma_start3A_6] : memref<4x!tpu.dma_semaphore, #tpu.memory_space<semaphore_mem>> -> memref<1x!tpu.dma_semaphore, #tpu.memory_space<semaphore_mem>>
    %dma_start3A_18 = tpu.memref_squeeze %dma_start3A_17 : memref<1x!tpu.dma_semaphore, #tpu.memory_space<semaphore_mem>> -> memref<!tpu.dma_semaphore, #tpu.memory_space<semaphore_mem>>
    tpu.enqueue_indirect_dma source(%dma_start3A_16 : memref<1000x128xf32, #tpu.memory_space<vmem_shared>>) target(%dma_start3A_10 : memref<128x128xf32, #tpu.memory_space<vmem>>) offsets(%dma_start3A_13 : memref<128xi32, #tpu.memory_space<vmem>>) semaphore(%dma_start3A_18 : memref<!tpu.dma_semaphore, #tpu.memory_space<semaphore_mem>>)
    %dma_start3A_19 = arith.constant 1 : i32
    %dma_start3A_20 = arith.constant 1 : i32
    %dma_start3A_21 = arith.constant 1 : i32
    %dma_start3A_22 = arith.constant 0 : i32
    %dma_start3A_23 = arith.constant 0 : i32
    %dma_start3A_24 = tpu.memref_slice %arg6[%dma_start3A_20, %dma_start3A_22, %dma_start3A_23] : memref<4x128x128xf32, #tpu.memory_space<vmem>> -> memref<1x128x128xf32, #tpu.memory_space<vmem>>
    %dma_start3A_25 = tpu.memref_squeeze %dma_start3A_24 : memref<1x128x128xf32, #tpu.memory_space<vmem>> -> memref<128x128xf32, #tpu.memory_space<vmem>>
    %dma_start3A_26 = arith.constant 0 : i32
    %dma_start3A_27 = tpu.memref_slice %arg5[%dma_start3A_19, %dma_start3A_26] : memref<50x128xi32, #tpu.memory_space<vmem>> -> memref<1x128xi32, #tpu.memory_space<vmem>>
    %dma_start3A_28 = tpu.memref_squeeze %dma_start3A_27 : memref<1x128xi32, #tpu.memory_space<vmem>> -> memref<128xi32, #tpu.memory_space<vmem>>
    %dma_start3A_29 = arith.constant 0 : i32
    %dma_start3A_30 = arith.constant 0 : i32
    %dma_start3A_31 = tpu.memref_slice %arg7[%dma_start3A_29, %dma_start3A_30] : memref<1000x128xf32, #tpu.memory_space<vmem_shared>> -> memref<1000x128xf32, #tpu.memory_space<vmem_shared>>
    %dma_start3A_32 = tpu.memref_slice %arg8[%dma_start3A_21] : memref<4x!tpu.dma_semaphore, #tpu.memory_space<semaphore_mem>> -> memref<1x!tpu.dma_semaphore, #tpu.memory_space<semaphore_mem>>
    %dma_start3A_33 = tpu.memref_squeeze %dma_start3A_32 : memref<1x!tpu.dma_semaphore, #tpu.memory_space<semaphore_mem>> -> memref<!tpu.dma_semaphore, #tpu.memory_space<semaphore_mem>>
    tpu.enqueue_indirect_dma source(%dma_start3A_31 : memref<1000x128xf32, #tpu.memory_space<vmem_shared>>) target(%dma_start3A_25 : memref<128x128xf32, #tpu.memory_space<vmem>>) offsets(%dma_start3A_28 : memref<128xi32, #tpu.memory_space<vmem>>) semaphore(%dma_start3A_33 : memref<!tpu.dma_semaphore, #tpu.memory_space<semaphore_mem>>)
    %dma_start3A_34 = arith.constant 2 : i32
    %dma_start3A_35 = arith.constant 2 : i32
    %dma_start3A_36 = arith.constant 2 : i32
    %dma_start3A_37 = arith.constant 0 : i32
    %dma_start3A_38 = arith.constant 0 : i32
    %dma_start3A_39 = tpu.memref_slice %arg6[%dma_start3A_35, %dma_start3A_37, %dma_start3A_38] : memref<4x128x128xf32, #tpu.memory_space<vmem>> -> memref<1x128x128xf32, #tpu.memory_space<vmem>>
    %dma_start3A_40 = tpu.memref_squeeze %dma_start3A_39 : memref<1x128x128xf32, #tpu.memory_space<vmem>> -> memref<128x128xf32, #tpu.memory_space<vmem>>
    %dma_start3A_41 = arith.constant 0 : i32
    %dma_start3A_42 = tpu.memref_slice %arg5[%dma_start3A_34, %dma_start3A_41] : memref<50x128xi32, #tpu.memory_space<vmem>> -> memref<1x128xi32, #tpu.memory_space<vmem>>
    %dma_start3A_43 = tpu.memref_squeeze %dma_start3A_42 : memref<1x128xi32, #tpu.memory_space<vmem>> -> memref<128xi32, #tpu.memory_space<vmem>>
    %dma_start3A_44 = arith.constant 0 : i32
    %dma_start3A_45 = arith.constant 0 : i32
    %dma_start3A_46 = tpu.memref_slice %arg7[%dma_start3A_44, %dma_start3A_45] : memref<1000x128xf32, #tpu.memory_space<vmem_shared>> -> memref<1000x128xf32, #tpu.memory_space<vmem_shared>>
    %dma_start3A_47 = tpu.memref_slice %arg8[%dma_start3A_36] : memref<4x!tpu.dma_semaphore, #tpu.memory_space<semaphore_mem>> -> memref<1x!tpu.dma_semaphore, #tpu.memory_space<semaphore_mem>>
    %dma_start3A_48 = tpu.memref_squeeze %dma_start3A_47 : memref<1x!tpu.dma_semaphore, #tpu.memory_space<semaphore_mem>> -> memref<!tpu.dma_semaphore, #tpu.memory_space<semaphore_mem>>
    tpu.enqueue_indirect_dma source(%dma_start3A_46 : memref<1000x128xf32, #tpu.memory_space<vmem_shared>>) target(%dma_start3A_40 : memref<128x128xf32, #tpu.memory_space<vmem>>) offsets(%dma_start3A_43 : memref<128xi32, #tpu.memory_space<vmem>>) semaphore(%dma_start3A_48 : memref<!tpu.dma_semaphore, #tpu.memory_space<semaphore_mem>>)
    %dma_start3A_49 = arith.constant 3 : i32
    %dma_start3A_50 = arith.constant 3 : i32
    %dma_start3A_51 = arith.constant 3 : i32
    %dma_start3A_52 = arith.constant 0 : i32
    %dma_start3A_53 = arith.constant 0 : i32
    %dma_start3A_54 = tpu.memref_slice %arg6[%dma_start3A_50, %dma_start3A_52, %dma_start3A_53] : memref<4x128x128xf32, #tpu.memory_space<vmem>> -> memref<1x128x128xf32, #tpu.memory_space<vmem>>
    %dma_start3A_55 = tpu.memref_squeeze %dma_start3A_54 : memref<1x128x128xf32, #tpu.memory_space<vmem>> -> memref<128x128xf32, #tpu.memory_space<vmem>>
    %dma_start3A_56 = arith.constant 0 : i32
    %dma_start3A_57 = tpu.memref_slice %arg5[%dma_start3A_49, %dma_start3A_56] : memref<50x128xi32, #tpu.memory_space<vmem>> -> memref<1x128xi32, #tpu.memory_space<vmem>>
    %dma_start3A_58 = tpu.memref_squeeze %dma_start3A_57 : memref<1x128xi32, #tpu.memory_space<vmem>> -> memref<128xi32, #tpu.memory_space<vmem>>
    %dma_start3A_59 = arith.constant 0 : i32
    %dma_start3A_60 = arith.constant 0 : i32
    %dma_start3A_61 = tpu.memref_slice %arg7[%dma_start3A_59, %dma_start3A_60] : memref<1000x128xf32, #tpu.memory_space<vmem_shared>> -> memref<1000x128xf32, #tpu.memory_space<vmem_shared>>
    %dma_start3A_62 = tpu.memref_slice %arg8[%dma_start3A_51] : memref<4x!tpu.dma_semaphore, #tpu.memory_space<semaphore_mem>> -> memref<1x!tpu.dma_semaphore, #tpu.memory_space<semaphore_mem>>
    %dma_start3A_63 = tpu.memref_squeeze %dma_start3A_62 : memref<1x!tpu.dma_semaphore, #tpu.memory_space<semaphore_mem>> -> memref<!tpu.dma_semaphore, #tpu.memory_space<semaphore_mem>>
    tpu.enqueue_indirect_dma source(%dma_start3A_61 : memref<1000x128xf32, #tpu.memory_space<vmem_shared>>) target(%dma_start3A_55 : memref<128x128xf32, #tpu.memory_space<vmem>>) offsets(%dma_start3A_58 : memref<128xi32, #tpu.memory_space<vmem>>) semaphore(%dma_start3A_63 : memref<!tpu.dma_semaphore, #tpu.memory_space<semaphore_mem>>)
    %scan3A = arith.constant 0 : i32
    %scan3A_64 = arith.constant 0 : i32
    %scan3A_65 = arith.constant 11 : i32
    %scan3A_66 = arith.addi %scan3A_64, %scan3A_65 : i32
    %scan3A_67 = arith.constant 1 : i32
    scf.for %scan3A_392 = %scan3A_64 to %scan3A_66 step %scan3A_67  : i32 {
      %mul3A_393 = arith.constant 4 : i32
      %mul3A_394 = arith.muli %scan3A_392, %mul3A_393 : i32
      %add3A_395 = arith.constant 0 : i32
      %add3A_396 = arith.addi %mul3A_394, %add3A_395 : i32
      %dma_wait3A_397 = arith.constant 0 : i32
      %dma_wait3A_398 = arith.constant 0 : i32
      %dma_wait3A_399 = arith.constant 0 : i32
      %dma_wait3A_400 = arith.constant 0 : i32
      %dma_wait3A_401 = tpu.memref_slice %arg6[%dma_wait3A_397, %dma_wait3A_399, %dma_wait3A_400] : memref<4x128x128xf32, #tpu.memory_space<vmem>> -> memref<1x128x128xf32, #tpu.memory_space<vmem>>
      %dma_wait3A_402 = tpu.memref_squeeze %dma_wait3A_401 : memref<1x128x128xf32, #tpu.memory_space<vmem>> -> memref<128x128xf32, #tpu.memory_space<vmem>>
      %dma_wait3A_403 = arith.constant 0 : i32
      %dma_wait3A_404 = tpu.memref_slice %arg5[%add3A_396, %dma_wait3A_403] : memref<50x128xi32, #tpu.memory_space<vmem>> -> memref<1x128xi32, #tpu.memory_space<vmem>>
      %dma_wait3A_405 = tpu.memref_squeeze %dma_wait3A_404 : memref<1x128xi32, #tpu.memory_space<vmem>> -> memref<128xi32, #tpu.memory_space<vmem>>
      %dma_wait3A_406 = arith.constant 0 : i32
      %dma_wait3A_407 = arith.constant 0 : i32
      %dma_wait3A_408 = tpu.memref_slice %arg7[%dma_wait3A_406, %dma_wait3A_407] : memref<1000x128xf32, #tpu.memory_space<vmem_shared>> -> memref<1000x128xf32, #tpu.memory_space<vmem_shared>>
      %dma_wait3A_409 = tpu.memref_slice %arg8[%dma_wait3A_398] : memref<4x!tpu.dma_semaphore, #tpu.memory_space<semaphore_mem>> -> memref<1x!tpu.dma_semaphore, #tpu.memory_space<semaphore_mem>>
      %dma_wait3A_410 = tpu.memref_squeeze %dma_wait3A_409 : memref<1x!tpu.dma_semaphore, #tpu.memory_space<semaphore_mem>> -> memref<!tpu.dma_semaphore, #tpu.memory_space<semaphore_mem>>
      tpu.wait_indirect_dma semaphore(%dma_wait3A_410 : memref<!tpu.dma_semaphore, #tpu.memory_space<semaphore_mem>>) src(%dma_wait3A_408 : memref<1000x128xf32, #tpu.memory_space<vmem_shared>>) dst(%dma_wait3A_402 : memref<128x128xf32, #tpu.memory_space<vmem>>)
      %mul3A_411 = arith.constant 4096 : i32
      %mul3A_412 = arith.muli %add3A_396, %mul3A_411 : i32
      %add3A_413 = arith.addi %mul3A_412, %mul3A_2 : i32
      %dma_start3A_414 = arith.constant 0 : i32
      %dma_start3A_415 = arith.constant 0 : i32
      %dma_start3A_416 = arith.constant 0 : i32
      %dma_start3A_417 = arith.constant 0 : i32
      %dma_start3A_418 = tpu.memref_slice %arg6[%dma_start3A_414, %dma_start3A_416, %dma_start3A_417] : memref<4x128x128xf32, #tpu.memory_space<vmem>> -> memref<1x128x128xf32, #tpu.memory_space<vmem>>
      %dma_start3A_419 = tpu.memref_squeeze %dma_start3A_418 : memref<1x128x128xf32, #tpu.memory_space<vmem>> -> memref<128x128xf32, #tpu.memory_space<vmem>>
      %dma_start3A_420 = arith.constant 0 : i32
      %dma_start3A_421 = tpu.memref_slice %arg4[%add3A_413, %dma_start3A_420] : memref<204800x128xf32, #tpu.memory_space<hbm>> -> memref<128x128xf32, #tpu.memory_space<hbm>>
      %dma_start3A_422 = tpu.memref_slice %arg9[%dma_start3A_415] : memref<4x!tpu.dma_semaphore, #tpu.memory_space<semaphore_mem>> -> memref<1x!tpu.dma_semaphore, #tpu.memory_space<semaphore_mem>>
      %dma_start3A_423 = tpu.memref_squeeze %dma_start3A_422 : memref<1x!tpu.dma_semaphore, #tpu.memory_space<semaphore_mem>> -> memref<!tpu.dma_semaphore, #tpu.memory_space<semaphore_mem>>
      %dma_start3A_424 = arith.constant 0 : i32
      %dma_start3A_425 = tpu.memref_slice %arg4[%add3A_413, %dma_start3A_424] : memref<204800x128xf32, #tpu.memory_space<hbm>> -> memref<128x128xf32, #tpu.memory_space<hbm>>
      %dma_start3A_426 = arith.constant 0 : i32
      %dma_start3A_427 = arith.constant 0 : i32
      %dma_start3A_428 = tpu.memref_slice %arg6[%dma_start3A_414, %dma_start3A_426, %dma_start3A_427] : memref<4x128x128xf32, #tpu.memory_space<vmem>> -> memref<1x128x128xf32, #tpu.memory_space<vmem>>
      %dma_start3A_429 = tpu.memref_squeeze %dma_start3A_428 : memref<1x128x128xf32, #tpu.memory_space<vmem>> -> memref<128x128xf32, #tpu.memory_space<vmem>>
      tpu.enqueue_dma source(%dma_start3A_429 : memref<128x128xf32, #tpu.memory_space<vmem>>) target(%dma_start3A_425 : memref<128x128xf32, #tpu.memory_space<hbm>>) target_semaphore(%dma_start3A_423 : memref<!tpu.dma_semaphore, #tpu.memory_space<semaphore_mem>>)
      %dma_wait3A_430 = arith.constant 0 : i32
      %dma_wait3A_431 = arith.constant 0 : i32
      %dma_wait3A_432 = arith.constant 0 : i32
      %dma_wait3A_433 = arith.constant 0 : i32
      %dma_wait3A_434 = tpu.memref_slice %arg6[%dma_wait3A_430, %dma_wait3A_432, %dma_wait3A_433] : memref<4x128x128xf32, #tpu.memory_space<vmem>> -> memref<1x128x128xf32, #tpu.memory_space<vmem>>
      %dma_wait3A_435 = tpu.memref_squeeze %dma_wait3A_434 : memref<1x128x128xf32, #tpu.memory_space<vmem>> -> memref<128x128xf32, #tpu.memory_space<vmem>>
      %dma_wait3A_436 = arith.constant 0 : i32
      %dma_wait3A_437 = tpu.memref_slice %arg4[%add3A_413, %dma_wait3A_436] : memref<204800x128xf32, #tpu.memory_space<hbm>> -> memref<128x128xf32, #tpu.memory_space<hbm>>
      %dma_wait3A_438 = tpu.memref_slice %arg9[%dma_wait3A_431] : memref<4x!tpu.dma_semaphore, #tpu.memory_space<semaphore_mem>> -> memref<1x!tpu.dma_semaphore, #tpu.memory_space<semaphore_mem>>
      %dma_wait3A_439 = tpu.memref_squeeze %dma_wait3A_438 : memref<1x!tpu.dma_semaphore, #tpu.memory_space<semaphore_mem>> -> memref<!tpu.dma_semaphore, #tpu.memory_space<semaphore_mem>>
      %dma_wait3A_440 = arith.constant 0 : i32
      %dma_wait3A_441 = tpu.memref_slice %arg4[%add3A_413, %dma_wait3A_440] : memref<204800x128xf32, #tpu.memory_space<hbm>> -> memref<128x128xf32, #tpu.memory_space<hbm>>
      %dma_wait3A_442 = arith.constant 0 : i32
      %dma_wait3A_443 = arith.constant 0 : i32
      %dma_wait3A_444 = tpu.memref_slice %arg6[%dma_wait3A_430, %dma_wait3A_442, %dma_wait3A_443] : memref<4x128x128xf32, #tpu.memory_space<vmem>> -> memref<1x128x128xf32, #tpu.memory_space<vmem>>
      %dma_wait3A_445 = tpu.memref_squeeze %dma_wait3A_444 : memref<1x128x128xf32, #tpu.memory_space<vmem>> -> memref<128x128xf32, #tpu.memory_space<vmem>>
      tpu.wait_dma2 semaphore(%dma_wait3A_439 : memref<!tpu.dma_semaphore, #tpu.memory_space<semaphore_mem>>) src(%dma_wait3A_445 : memref<128x128xf32, #tpu.memory_space<vmem>>) dst(%dma_wait3A_441 : memref<128x128xf32, #tpu.memory_space<hbm>>)
      %add3A_446 = arith.constant 4 : i32
      %add3A_447 = arith.addi %add3A_396, %add3A_446 : i32
      %dma_start3A_448 = arith.constant 0 : i32
      %dma_start3A_449 = arith.constant 0 : i32
      %dma_start3A_450 = arith.constant 0 : i32
      %dma_start3A_451 = arith.constant 0 : i32
      %dma_start3A_452 = tpu.memref_slice %arg6[%dma_start3A_448, %dma_start3A_450, %dma_start3A_451] : memref<4x128x128xf32, #tpu.memory_space<vmem>> -> memref<1x128x128xf32, #tpu.memory_space<vmem>>
      %dma_start3A_453 = tpu.memref_squeeze %dma_start3A_452 : memref<1x128x128xf32, #tpu.memory_space<vmem>> -> memref<128x128xf32, #tpu.memory_space<vmem>>
      %dma_start3A_454 = arith.constant 0 : i32
      %dma_start3A_455 = tpu.memref_slice %arg5[%add3A_447, %dma_start3A_454] : memref<50x128xi32, #tpu.memory_space<vmem>> -> memref<1x128xi32, #tpu.memory_space<vmem>>
      %dma_start3A_456 = tpu.memref_squeeze %dma_start3A_455 : memref<1x128xi32, #tpu.memory_space<vmem>> -> memref<128xi32, #tpu.memory_space<vmem>>
      %dma_start3A_457 = arith.constant 0 : i32
      %dma_start3A_458 = arith.constant 0 : i32
      %dma_start3A_459 = tpu.memref_slice %arg7[%dma_start3A_457, %dma_start3A_458] : memref<1000x128xf32, #tpu.memory_space<vmem_shared>> -> memref<1000x128xf32, #tpu.memory_space<vmem_shared>>
      %dma_start3A_460 = tpu.memref_slice %arg8[%dma_start3A_449] : memref<4x!tpu.dma_semaphore, #tpu.memory_space<semaphore_mem>> -> memref<1x!tpu.dma_semaphore, #tpu.memory_space<semaphore_mem>>
      %dma_start3A_461 = tpu.memref_squeeze %dma_start3A_460 : memref<1x!tpu.dma_semaphore, #tpu.memory_space<semaphore_mem>> -> memref<!tpu.dma_semaphore, #tpu.memory_space<semaphore_mem>>
      tpu.enqueue_indirect_dma source(%dma_start3A_459 : memref<1000x128xf32, #tpu.memory_space<vmem_shared>>) target(%dma_start3A_453 : memref<128x128xf32, #tpu.memory_space<vmem>>) offsets(%dma_start3A_456 : memref<128xi32, #tpu.memory_space<vmem>>) semaphore(%dma_start3A_461 : memref<!tpu.dma_semaphore, #tpu.memory_space<semaphore_mem>>)
      %mul3A_462 = arith.constant 4 : i32
      %mul3A_463 = arith.muli %scan3A_392, %mul3A_462 : i32
      %add3A_464 = arith.constant 1 : i32
      %add3A_465 = arith.addi %mul3A_463, %add3A_464 : i32
      %dma_wait3A_466 = arith.constant 1 : i32
      %dma_wait3A_467 = arith.constant 1 : i32
      %dma_wait3A_468 = arith.constant 0 : i32
      %dma_wait3A_469 = arith.constant 0 : i32
      %dma_wait3A_470 = tpu.memref_slice %arg6[%dma_wait3A_466, %dma_wait3A_468, %dma_wait3A_469] : memref<4x128x128xf32, #tpu.memory_space<vmem>> -> memref<1x128x128xf32, #tpu.memory_space<vmem>>
      %dma_wait3A_471 = tpu.memref_squeeze %dma_wait3A_470 : memref<1x128x128xf32, #tpu.memory_space<vmem>> -> memref<128x128xf32, #tpu.memory_space<vmem>>
      %dma_wait3A_472 = arith.constant 0 : i32
      %dma_wait3A_473 = tpu.memref_slice %arg5[%add3A_465, %dma_wait3A_472] : memref<50x128xi32, #tpu.memory_space<vmem>> -> memref<1x128xi32, #tpu.memory_space<vmem>>
      %dma_wait3A_474 = tpu.memref_squeeze %dma_wait3A_473 : memref<1x128xi32, #tpu.memory_space<vmem>> -> memref<128xi32, #tpu.memory_space<vmem>>
      %dma_wait3A_475 = arith.constant 0 : i32
      %dma_wait3A_476 = arith.constant 0 : i32
      %dma_wait3A_477 = tpu.memref_slice %arg7[%dma_wait3A_475, %dma_wait3A_476] : memref<1000x128xf32, #tpu.memory_space<vmem_shared>> -> memref<1000x128xf32, #tpu.memory_space<vmem_shared>>
      %dma_wait3A_478 = tpu.memref_slice %arg8[%dma_wait3A_467] : memref<4x!tpu.dma_semaphore, #tpu.memory_space<semaphore_mem>> -> memref<1x!tpu.dma_semaphore, #tpu.memory_space<semaphore_mem>>
      %dma_wait3A_479 = tpu.memref_squeeze %dma_wait3A_478 : memref<1x!tpu.dma_semaphore, #tpu.memory_space<semaphore_mem>> -> memref<!tpu.dma_semaphore, #tpu.memory_space<semaphore_mem>>
      tpu.wait_indirect_dma semaphore(%dma_wait3A_479 : memref<!tpu.dma_semaphore, #tpu.memory_space<semaphore_mem>>) src(%dma_wait3A_477 : memref<1000x128xf32, #tpu.memory_space<vmem_shared>>) dst(%dma_wait3A_471 : memref<128x128xf32, #tpu.memory_space<vmem>>)
      %mul3A_480 = arith.constant 4096 : i32
      %mul3A_481 = arith.muli %add3A_465, %mul3A_480 : i32
      %add3A_482 = arith.addi %mul3A_481, %mul3A_2 : i32
      %dma_start3A_483 = arith.constant 1 : i32
      %dma_start3A_484 = arith.constant 1 : i32
      %dma_start3A_485 = arith.constant 0 : i32
      %dma_start3A_486 = arith.constant 0 : i32
      %dma_start3A_487 = tpu.memref_slice %arg6[%dma_start3A_483, %dma_start3A_485, %dma_start3A_486] : memref<4x128x128xf32, #tpu.memory_space<vmem>> -> memref<1x128x128xf32, #tpu.memory_space<vmem>>
      %dma_start3A_488 = tpu.memref_squeeze %dma_start3A_487 : memref<1x128x128xf32, #tpu.memory_space<vmem>> -> memref<128x128xf32, #tpu.memory_space<vmem>>
      %dma_start3A_489 = arith.constant 0 : i32
      %dma_start3A_490 = tpu.memref_slice %arg4[%add3A_482, %dma_start3A_489] : memref<204800x128xf32, #tpu.memory_space<hbm>> -> memref<128x128xf32, #tpu.memory_space<hbm>>
      %dma_start3A_491 = tpu.memref_slice %arg9[%dma_start3A_484] : memref<4x!tpu.dma_semaphore, #tpu.memory_space<semaphore_mem>> -> memref<1x!tpu.dma_semaphore, #tpu.memory_space<semaphore_mem>>
      %dma_start3A_492 = tpu.memref_squeeze %dma_start3A_491 : memref<1x!tpu.dma_semaphore, #tpu.memory_space<semaphore_mem>> -> memref<!tpu.dma_semaphore, #tpu.memory_space<semaphore_mem>>
      %dma_start3A_493 = arith.constant 0 : i32
      %dma_start3A_494 = tpu.memref_slice %arg4[%add3A_482, %dma_start3A_493] : memref<204800x128xf32, #tpu.memory_space<hbm>> -> memref<128x128xf32, #tpu.memory_space<hbm>>
      %dma_start3A_495 = arith.constant 0 : i32
      %dma_start3A_496 = arith.constant 0 : i32
      %dma_start3A_497 = tpu.memref_slice %arg6[%dma_start3A_483, %dma_start3A_495, %dma_start3A_496] : memref<4x128x128xf32, #tpu.memory_space<vmem>> -> memref<1x128x128xf32, #tpu.memory_space<vmem>>
      %dma_start3A_498 = tpu.memref_squeeze %dma_start3A_497 : memref<1x128x128xf32, #tpu.memory_space<vmem>> -> memref<128x128xf32, #tpu.memory_space<vmem>>
      tpu.enqueue_dma source(%dma_start3A_498 : memref<128x128xf32, #tpu.memory_space<vmem>>) target(%dma_start3A_494 : memref<128x128xf32, #tpu.memory_space<hbm>>) target_semaphore(%dma_start3A_492 : memref<!tpu.dma_semaphore, #tpu.memory_space<semaphore_mem>>)
      %dma_wait3A_499 = arith.constant 1 : i32
      %dma_wait3A_500 = arith.constant 1 : i32
      %dma_wait3A_501 = arith.constant 0 : i32
      %dma_wait3A_502 = arith.constant 0 : i32
      %dma_wait3A_503 = tpu.memref_slice %arg6[%dma_wait3A_499, %dma_wait3A_501, %dma_wait3A_502] : memref<4x128x128xf32, #tpu.memory_space<vmem>> -> memref<1x128x128xf32, #tpu.memory_space<vmem>>
      %dma_wait3A_504 = tpu.memref_squeeze %dma_wait3A_503 : memref<1x128x128xf32, #tpu.memory_space<vmem>> -> memref<128x128xf32, #tpu.memory_space<vmem>>
      %dma_wait3A_505 = arith.constant 0 : i32
      %dma_wait3A_506 = tpu.memref_slice %arg4[%add3A_482, %dma_wait3A_505] : memref<204800x128xf32, #tpu.memory_space<hbm>> -> memref<128x128xf32, #tpu.memory_space<hbm>>
      %dma_wait3A_507 = tpu.memref_slice %arg9[%dma_wait3A_500] : memref<4x!tpu.dma_semaphore, #tpu.memory_space<semaphore_mem>> -> memref<1x!tpu.dma_semaphore, #tpu.memory_space<semaphore_mem>>
      %dma_wait3A_508 = tpu.memref_squeeze %dma_wait3A_507 : memref<1x!tpu.dma_semaphore, #tpu.memory_space<semaphore_mem>> -> memref<!tpu.dma_semaphore, #tpu.memory_space<semaphore_mem>>
      %dma_wait3A_509 = arith.constant 0 : i32
      %dma_wait3A_510 = tpu.memref_slice %arg4[%add3A_482, %dma_wait3A_509] : memref<204800x128xf32, #tpu.memory_space<hbm>> -> memref<128x128xf32, #tpu.memory_space<hbm>>
      %dma_wait3A_511 = arith.constant 0 : i32
      %dma_wait3A_512 = arith.constant 0 : i32
      %dma_wait3A_513 = tpu.memref_slice %arg6[%dma_wait3A_499, %dma_wait3A_511, %dma_wait3A_512] : memref<4x128x128xf32, #tpu.memory_space<vmem>> -> memref<1x128x128xf32, #tpu.memory_space<vmem>>
      %dma_wait3A_514 = tpu.memref_squeeze %dma_wait3A_513 : memref<1x128x128xf32, #tpu.memory_space<vmem>> -> memref<128x128xf32, #tpu.memory_space<vmem>>
      tpu.wait_dma2 semaphore(%dma_wait3A_508 : memref<!tpu.dma_semaphore, #tpu.memory_space<semaphore_mem>>) src(%dma_wait3A_514 : memref<128x128xf32, #tpu.memory_space<vmem>>) dst(%dma_wait3A_510 : memref<128x128xf32, #tpu.memory_space<hbm>>)
      %add3A_515 = arith.constant 4 : i32
      %add3A_516 = arith.addi %add3A_465, %add3A_515 : i32
      %dma_start3A_517 = arith.constant 1 : i32
      %dma_start3A_518 = arith.constant 1 : i32
      %dma_start3A_519 = arith.constant 0 : i32
      %dma_start3A_520 = arith.constant 0 : i32
      %dma_start3A_521 = tpu.memref_slice %arg6[%dma_start3A_517, %dma_start3A_519, %dma_start3A_520] : memref<4x128x128xf32, #tpu.memory_space<vmem>> -> memref<1x128x128xf32, #tpu.memory_space<vmem>>
      %dma_start3A_522 = tpu.memref_squeeze %dma_start3A_521 : memref<1x128x128xf32, #tpu.memory_space<vmem>> -> memref<128x128xf32, #tpu.memory_space<vmem>>
      %dma_start3A_523 = arith.constant 0 : i32
      %dma_start3A_524 = tpu.memref_slice %arg5[%add3A_516, %dma_start3A_523] : memref<50x128xi32, #tpu.memory_space<vmem>> -> memref<1x128xi32, #tpu.memory_space<vmem>>
      %dma_start3A_525 = tpu.memref_squeeze %dma_start3A_524 : memref<1x128xi32, #tpu.memory_space<vmem>> -> memref<128xi32, #tpu.memory_space<vmem>>
      %dma_start3A_526 = arith.constant 0 : i32
      %dma_start3A_527 = arith.constant 0 : i32
      %dma_start3A_528 = tpu.memref_slice %arg7[%dma_start3A_526, %dma_start3A_527] : memref<1000x128xf32, #tpu.memory_space<vmem_shared>> -> memref<1000x128xf32, #tpu.memory_space<vmem_shared>>
      %dma_start3A_529 = tpu.memref_slice %arg8[%dma_start3A_518] : memref<4x!tpu.dma_semaphore, #tpu.memory_space<semaphore_mem>> -> memref<1x!tpu.dma_semaphore, #tpu.memory_space<semaphore_mem>>
      %dma_start3A_530 = tpu.memref_squeeze %dma_start3A_529 : memref<1x!tpu.dma_semaphore, #tpu.memory_space<semaphore_mem>> -> memref<!tpu.dma_semaphore, #tpu.memory_space<semaphore_mem>>
      tpu.enqueue_indirect_dma source(%dma_start3A_528 : memref<1000x128xf32, #tpu.memory_space<vmem_shared>>) target(%dma_start3A_522 : memref<128x128xf32, #tpu.memory_space<vmem>>) offsets(%dma_start3A_525 : memref<128xi32, #tpu.memory_space<vmem>>) semaphore(%dma_start3A_530 : memref<!tpu.dma_semaphore, #tpu.memory_space<semaphore_mem>>)
      %mul3A_531 = arith.constant 4 : i32
      %mul3A_532 = arith.muli %scan3A_392, %mul3A_531 : i32
      %add3A_533 = arith.constant 2 : i32
      %add3A_534 = arith.addi %mul3A_532, %add3A_533 : i32
      %dma_wait3A_535 = arith.constant 2 : i32
      %dma_wait3A_536 = arith.constant 2 : i32
      %dma_wait3A_537 = arith.constant 0 : i32
      %dma_wait3A_538 = arith.constant 0 : i32
      %dma_wait3A_539 = tpu.memref_slice %arg6[%dma_wait3A_535, %dma_wait3A_537, %dma_wait3A_538] : memref<4x128x128xf32, #tpu.memory_space<vmem>> -> memref<1x128x128xf32, #tpu.memory_space<vmem>>
      %dma_wait3A_540 = tpu.memref_squeeze %dma_wait3A_539 : memref<1x128x128xf32, #tpu.memory_space<vmem>> -> memref<128x128xf32, #tpu.memory_space<vmem>>
      %dma_wait3A_541 = arith.constant 0 : i32
      %dma_wait3A_542 = tpu.memref_slice %arg5[%add3A_534, %dma_wait3A_541] : memref<50x128xi32, #tpu.memory_space<vmem>> -> memref<1x128xi32, #tpu.memory_space<vmem>>
      %dma_wait3A_543 = tpu.memref_squeeze %dma_wait3A_542 : memref<1x128xi32, #tpu.memory_space<vmem>> -> memref<128xi32, #tpu.memory_space<vmem>>
      %dma_wait3A_544 = arith.constant 0 : i32
      %dma_wait3A_545 = arith.constant 0 : i32
      %dma_wait3A_546 = tpu.memref_slice %arg7[%dma_wait3A_544, %dma_wait3A_545] : memref<1000x128xf32, #tpu.memory_space<vmem_shared>> -> memref<1000x128xf32, #tpu.memory_space<vmem_shared>>
      %dma_wait3A_547 = tpu.memref_slice %arg8[%dma_wait3A_536] : memref<4x!tpu.dma_semaphore, #tpu.memory_space<semaphore_mem>> -> memref<1x!tpu.dma_semaphore, #tpu.memory_space<semaphore_mem>>
      %dma_wait3A_548 = tpu.memref_squeeze %dma_wait3A_547 : memref<1x!tpu.dma_semaphore, #tpu.memory_space<semaphore_mem>> -> memref<!tpu.dma_semaphore, #tpu.memory_space<semaphore_mem>>
      tpu.wait_indirect_dma semaphore(%dma_wait3A_548 : memref<!tpu.dma_semaphore, #tpu.memory_space<semaphore_mem>>) src(%dma_wait3A_546 : memref<1000x128xf32, #tpu.memory_space<vmem_shared>>) dst(%dma_wait3A_540 : memref<128x128xf32, #tpu.memory_space<vmem>>)
      %mul3A_549 = arith.constant 4096 : i32
      %mul3A_550 = arith.muli %add3A_534, %mul3A_549 : i32
      %add3A_551 = arith.addi %mul3A_550, %mul3A_2 : i32
      %dma_start3A_552 = arith.constant 2 : i32
      %dma_start3A_553 = arith.constant 2 : i32
      %dma_start3A_554 = arith.constant 0 : i32
      %dma_start3A_555 = arith.constant 0 : i32
      %dma_start3A_556 = tpu.memref_slice %arg6[%dma_start3A_552, %dma_start3A_554, %dma_start3A_555] : memref<4x128x128xf32, #tpu.memory_space<vmem>> -> memref<1x128x128xf32, #tpu.memory_space<vmem>>
      %dma_start3A_557 = tpu.memref_squeeze %dma_start3A_556 : memref<1x128x128xf32, #tpu.memory_space<vmem>> -> memref<128x128xf32, #tpu.memory_space<vmem>>
      %dma_start3A_558 = arith.constant 0 : i32
      %dma_start3A_559 = tpu.memref_slice %arg4[%add3A_551, %dma_start3A_558] : memref<204800x128xf32, #tpu.memory_space<hbm>> -> memref<128x128xf32, #tpu.memory_space<hbm>>
      %dma_start3A_560 = tpu.memref_slice %arg9[%dma_start3A_553] : memref<4x!tpu.dma_semaphore, #tpu.memory_space<semaphore_mem>> -> memref<1x!tpu.dma_semaphore, #tpu.memory_space<semaphore_mem>>
      %dma_start3A_561 = tpu.memref_squeeze %dma_start3A_560 : memref<1x!tpu.dma_semaphore, #tpu.memory_space<semaphore_mem>> -> memref<!tpu.dma_semaphore, #tpu.memory_space<semaphore_mem>>
      %dma_start3A_562 = arith.constant 0 : i32
      %dma_start3A_563 = tpu.memref_slice %arg4[%add3A_551, %dma_start3A_562] : memref<204800x128xf32, #tpu.memory_space<hbm>> -> memref<128x128xf32, #tpu.memory_space<hbm>>
      %dma_start3A_564 = arith.constant 0 : i32
      %dma_start3A_565 = arith.constant 0 : i32
      %dma_start3A_566 = tpu.memref_slice %arg6[%dma_start3A_552, %dma_start3A_564, %dma_start3A_565] : memref<4x128x128xf32, #tpu.memory_space<vmem>> -> memref<1x128x128xf32, #tpu.memory_space<vmem>>
      %dma_start3A_567 = tpu.memref_squeeze %dma_start3A_566 : memref<1x128x128xf32, #tpu.memory_space<vmem>> -> memref<128x128xf32, #tpu.memory_space<vmem>>
      tpu.enqueue_dma source(%dma_start3A_567 : memref<128x128xf32, #tpu.memory_space<vmem>>) target(%dma_start3A_563 : memref<128x128xf32, #tpu.memory_space<hbm>>) target_semaphore(%dma_start3A_561 : memref<!tpu.dma_semaphore, #tpu.memory_space<semaphore_mem>>)
      %dma_wait3A_568 = arith.constant 2 : i32
      %dma_wait3A_569 = arith.constant 2 : i32
      %dma_wait3A_570 = arith.constant 0 : i32
      %dma_wait3A_571 = arith.constant 0 : i32
      %dma_wait3A_572 = tpu.memref_slice %arg6[%dma_wait3A_568, %dma_wait3A_570, %dma_wait3A_571] : memref<4x128x128xf32, #tpu.memory_space<vmem>> -> memref<1x128x128xf32, #tpu.memory_space<vmem>>
      %dma_wait3A_573 = tpu.memref_squeeze %dma_wait3A_572 : memref<1x128x128xf32, #tpu.memory_space<vmem>> -> memref<128x128xf32, #tpu.memory_space<vmem>>
      %dma_wait3A_574 = arith.constant 0 : i32
      %dma_wait3A_575 = tpu.memref_slice %arg4[%add3A_551, %dma_wait3A_574] : memref<204800x128xf32, #tpu.memory_space<hbm>> -> memref<128x128xf32, #tpu.memory_space<hbm>>
      %dma_wait3A_576 = tpu.memref_slice %arg9[%dma_wait3A_569] : memref<4x!tpu.dma_semaphore, #tpu.memory_space<semaphore_mem>> -> memref<1x!tpu.dma_semaphore, #tpu.memory_space<semaphore_mem>>
      %dma_wait3A_577 = tpu.memref_squeeze %dma_wait3A_576 : memref<1x!tpu.dma_semaphore, #tpu.memory_space<semaphore_mem>> -> memref<!tpu.dma_semaphore, #tpu.memory_space<semaphore_mem>>
      %dma_wait3A_578 = arith.constant 0 : i32
      %dma_wait3A_579 = tpu.memref_slice %arg4[%add3A_551, %dma_wait3A_578] : memref<204800x128xf32, #tpu.memory_space<hbm>> -> memref<128x128xf32, #tpu.memory_space<hbm>>
      %dma_wait3A_580 = arith.constant 0 : i32
      %dma_wait3A_581 = arith.constant 0 : i32
      %dma_wait3A_582 = tpu.memref_slice %arg6[%dma_wait3A_568, %dma_wait3A_580, %dma_wait3A_581] : memref<4x128x128xf32, #tpu.memory_space<vmem>> -> memref<1x128x128xf32, #tpu.memory_space<vmem>>
      %dma_wait3A_583 = tpu.memref_squeeze %dma_wait3A_582 : memref<1x128x128xf32, #tpu.memory_space<vmem>> -> memref<128x128xf32, #tpu.memory_space<vmem>>
      tpu.wait_dma2 semaphore(%dma_wait3A_577 : memref<!tpu.dma_semaphore, #tpu.memory_space<semaphore_mem>>) src(%dma_wait3A_583 : memref<128x128xf32, #tpu.memory_space<vmem>>) dst(%dma_wait3A_579 : memref<128x128xf32, #tpu.memory_space<hbm>>)
      %add3A_584 = arith.constant 4 : i32
      %add3A_585 = arith.addi %add3A_534, %add3A_584 : i32
      %dma_start3A_586 = arith.constant 2 : i32
      %dma_start3A_587 = arith.constant 2 : i32
      %dma_start3A_588 = arith.constant 0 : i32
      %dma_start3A_589 = arith.constant 0 : i32
      %dma_start3A_590 = tpu.memref_slice %arg6[%dma_start3A_586, %dma_start3A_588, %dma_start3A_589] : memref<4x128x128xf32, #tpu.memory_space<vmem>> -> memref<1x128x128xf32, #tpu.memory_space<vmem>>
      %dma_start3A_591 = tpu.memref_squeeze %dma_start3A_590 : memref<1x128x128xf32, #tpu.memory_space<vmem>> -> memref<128x128xf32, #tpu.memory_space<vmem>>
      %dma_start3A_592 = arith.constant 0 : i32
      %dma_start3A_593 = tpu.memref_slice %arg5[%add3A_585, %dma_start3A_592] : memref<50x128xi32, #tpu.memory_space<vmem>> -> memref<1x128xi32, #tpu.memory_space<vmem>>
      %dma_start3A_594 = tpu.memref_squeeze %dma_start3A_593 : memref<1x128xi32, #tpu.memory_space<vmem>> -> memref<128xi32, #tpu.memory_space<vmem>>
      %dma_start3A_595 = arith.constant 0 : i32
      %dma_start3A_596 = arith.constant 0 : i32
      %dma_start3A_597 = tpu.memref_slice %arg7[%dma_start3A_595, %dma_start3A_596] : memref<1000x128xf32, #tpu.memory_space<vmem_shared>> -> memref<1000x128xf32, #tpu.memory_space<vmem_shared>>
      %dma_start3A_598 = tpu.memref_slice %arg8[%dma_start3A_587] : memref<4x!tpu.dma_semaphore, #tpu.memory_space<semaphore_mem>> -> memref<1x!tpu.dma_semaphore, #tpu.memory_space<semaphore_mem>>
      %dma_start3A_599 = tpu.memref_squeeze %dma_start3A_598 : memref<1x!tpu.dma_semaphore, #tpu.memory_space<semaphore_mem>> -> memref<!tpu.dma_semaphore, #tpu.memory_space<semaphore_mem>>
      tpu.enqueue_indirect_dma source(%dma_start3A_597 : memref<1000x128xf32, #tpu.memory_space<vmem_shared>>) target(%dma_start3A_591 : memref<128x128xf32, #tpu.memory_space<vmem>>) offsets(%dma_start3A_594 : memref<128xi32, #tpu.memory_space<vmem>>) semaphore(%dma_start3A_599 : memref<!tpu.dma_semaphore, #tpu.memory_space<semaphore_mem>>)
      %mul3A_600 = arith.constant 4 : i32
      %mul3A_601 = arith.muli %scan3A_392, %mul3A_600 : i32
      %add3A_602 = arith.constant 3 : i32
      %add3A_603 = arith.addi %mul3A_601, %add3A_602 : i32
      %dma_wait3A_604 = arith.constant 3 : i32
      %dma_wait3A_605 = arith.constant 3 : i32
      %dma_wait3A_606 = arith.constant 0 : i32
      %dma_wait3A_607 = arith.constant 0 : i32
      %dma_wait3A_608 = tpu.memref_slice %arg6[%dma_wait3A_604, %dma_wait3A_606, %dma_wait3A_607] : memref<4x128x128xf32, #tpu.memory_space<vmem>> -> memref<1x128x128xf32, #tpu.memory_space<vmem>>
      %dma_wait3A_609 = tpu.memref_squeeze %dma_wait3A_608 : memref<1x128x128xf32, #tpu.memory_space<vmem>> -> memref<128x128xf32, #tpu.memory_space<vmem>>
      %dma_wait3A_610 = arith.constant 0 : i32
      %dma_wait3A_611 = tpu.memref_slice %arg5[%add3A_603, %dma_wait3A_610] : memref<50x128xi32, #tpu.memory_space<vmem>> -> memref<1x128xi32, #tpu.memory_space<vmem>>
      %dma_wait3A_612 = tpu.memref_squeeze %dma_wait3A_611 : memref<1x128xi32, #tpu.memory_space<vmem>> -> memref<128xi32, #tpu.memory_space<vmem>>
      %dma_wait3A_613 = arith.constant 0 : i32
      %dma_wait3A_614 = arith.constant 0 : i32
      %dma_wait3A_615 = tpu.memref_slice %arg7[%dma_wait3A_613, %dma_wait3A_614] : memref<1000x128xf32, #tpu.memory_space<vmem_shared>> -> memref<1000x128xf32, #tpu.memory_space<vmem_shared>>
      %dma_wait3A_616 = tpu.memref_slice %arg8[%dma_wait3A_605] : memref<4x!tpu.dma_semaphore, #tpu.memory_space<semaphore_mem>> -> memref<1x!tpu.dma_semaphore, #tpu.memory_space<semaphore_mem>>
      %dma_wait3A_617 = tpu.memref_squeeze %dma_wait3A_616 : memref<1x!tpu.dma_semaphore, #tpu.memory_space<semaphore_mem>> -> memref<!tpu.dma_semaphore, #tpu.memory_space<semaphore_mem>>
      tpu.wait_indirect_dma semaphore(%dma_wait3A_617 : memref<!tpu.dma_semaphore, #tpu.memory_space<semaphore_mem>>) src(%dma_wait3A_615 : memref<1000x128xf32, #tpu.memory_space<vmem_shared>>) dst(%dma_wait3A_609 : memref<128x128xf32, #tpu.memory_space<vmem>>)
      %mul3A_618 = arith.constant 4096 : i32
      %mul3A_619 = arith.muli %add3A_603, %mul3A_618 : i32
      %add3A_620 = arith.addi %mul3A_619, %mul3A_2 : i32
      %dma_start3A_621 = arith.constant 3 : i32
      %dma_start3A_622 = arith.constant 3 : i32
      %dma_start3A_623 = arith.constant 0 : i32
      %dma_start3A_624 = arith.constant 0 : i32
      %dma_start3A_625 = tpu.memref_slice %arg6[%dma_start3A_621, %dma_start3A_623, %dma_start3A_624] : memref<4x128x128xf32, #tpu.memory_space<vmem>> -> memref<1x128x128xf32, #tpu.memory_space<vmem>>
      %dma_start3A_626 = tpu.memref_squeeze %dma_start3A_625 : memref<1x128x128xf32, #tpu.memory_space<vmem>> -> memref<128x128xf32, #tpu.memory_space<vmem>>
      %dma_start3A_627 = arith.constant 0 : i32
      %dma_start3A_628 = tpu.memref_slice %arg4[%add3A_620, %dma_start3A_627] : memref<204800x128xf32, #tpu.memory_space<hbm>> -> memref<128x128xf32, #tpu.memory_space<hbm>>
      %dma_start3A_629 = tpu.memref_slice %arg9[%dma_start3A_622] : memref<4x!tpu.dma_semaphore, #tpu.memory_space<semaphore_mem>> -> memref<1x!tpu.dma_semaphore, #tpu.memory_space<semaphore_mem>>
      %dma_start3A_630 = tpu.memref_squeeze %dma_start3A_629 : memref<1x!tpu.dma_semaphore, #tpu.memory_space<semaphore_mem>> -> memref<!tpu.dma_semaphore, #tpu.memory_space<semaphore_mem>>
      %dma_start3A_631 = arith.constant 0 : i32
      %dma_start3A_632 = tpu.memref_slice %arg4[%add3A_620, %dma_start3A_631] : memref<204800x128xf32, #tpu.memory_space<hbm>> -> memref<128x128xf32, #tpu.memory_space<hbm>>
      %dma_start3A_633 = arith.constant 0 : i32
      %dma_start3A_634 = arith.constant 0 : i32
      %dma_start3A_635 = tpu.memref_slice %arg6[%dma_start3A_621, %dma_start3A_633, %dma_start3A_634] : memref<4x128x128xf32, #tpu.memory_space<vmem>> -> memref<1x128x128xf32, #tpu.memory_space<vmem>>
      %dma_start3A_636 = tpu.memref_squeeze %dma_start3A_635 : memref<1x128x128xf32, #tpu.memory_space<vmem>> -> memref<128x128xf32, #tpu.memory_space<vmem>>
      tpu.enqueue_dma source(%dma_start3A_636 : memref<128x128xf32, #tpu.memory_space<vmem>>) target(%dma_start3A_632 : memref<128x128xf32, #tpu.memory_space<hbm>>) target_semaphore(%dma_start3A_630 : memref<!tpu.dma_semaphore, #tpu.memory_space<semaphore_mem>>)
      %dma_wait3A_637 = arith.constant 3 : i32
      %dma_wait3A_638 = arith.constant 3 : i32
      %dma_wait3A_639 = arith.constant 0 : i32
      %dma_wait3A_640 = arith.constant 0 : i32
      %dma_wait3A_641 = tpu.memref_slice %arg6[%dma_wait3A_637, %dma_wait3A_639, %dma_wait3A_640] : memref<4x128x128xf32, #tpu.memory_space<vmem>> -> memref<1x128x128xf32, #tpu.memory_space<vmem>>
      %dma_wait3A_642 = tpu.memref_squeeze %dma_wait3A_641 : memref<1x128x128xf32, #tpu.memory_space<vmem>> -> memref<128x128xf32, #tpu.memory_space<vmem>>
      %dma_wait3A_643 = arith.constant 0 : i32
      %dma_wait3A_644 = tpu.memref_slice %arg4[%add3A_620, %dma_wait3A_643] : memref<204800x128xf32, #tpu.memory_space<hbm>> -> memref<128x128xf32, #tpu.memory_space<hbm>>
      %dma_wait3A_645 = tpu.memref_slice %arg9[%dma_wait3A_638] : memref<4x!tpu.dma_semaphore, #tpu.memory_space<semaphore_mem>> -> memref<1x!tpu.dma_semaphore, #tpu.memory_space<semaphore_mem>>
      %dma_wait3A_646 = tpu.memref_squeeze %dma_wait3A_645 : memref<1x!tpu.dma_semaphore, #tpu.memory_space<semaphore_mem>> -> memref<!tpu.dma_semaphore, #tpu.memory_space<semaphore_mem>>
      %dma_wait3A_647 = arith.constant 0 : i32
      %dma_wait3A_648 = tpu.memref_slice %arg4[%add3A_620, %dma_wait3A_647] : memref<204800x128xf32, #tpu.memory_space<hbm>> -> memref<128x128xf32, #tpu.memory_space<hbm>>
      %dma_wait3A_649 = arith.constant 0 : i32
      %dma_wait3A_650 = arith.constant 0 : i32
      %dma_wait3A_651 = tpu.memref_slice %arg6[%dma_wait3A_637, %dma_wait3A_649, %dma_wait3A_650] : memref<4x128x128xf32, #tpu.memory_space<vmem>> -> memref<1x128x128xf32, #tpu.memory_space<vmem>>
      %dma_wait3A_652 = tpu.memref_squeeze %dma_wait3A_651 : memref<1x128x128xf32, #tpu.memory_space<vmem>> -> memref<128x128xf32, #tpu.memory_space<vmem>>
      tpu.wait_dma2 semaphore(%dma_wait3A_646 : memref<!tpu.dma_semaphore, #tpu.memory_space<semaphore_mem>>) src(%dma_wait3A_652 : memref<128x128xf32, #tpu.memory_space<vmem>>) dst(%dma_wait3A_648 : memref<128x128xf32, #tpu.memory_space<hbm>>)
      %add3A_653 = arith.constant 4 : i32
      %add3A_654 = arith.addi %add3A_603, %add3A_653 : i32
      %dma_start3A_655 = arith.constant 3 : i32
      %dma_start3A_656 = arith.constant 3 : i32
      %dma_start3A_657 = arith.constant 0 : i32
      %dma_start3A_658 = arith.constant 0 : i32
      %dma_start3A_659 = tpu.memref_slice %arg6[%dma_start3A_655, %dma_start3A_657, %dma_start3A_658] : memref<4x128x128xf32, #tpu.memory_space<vmem>> -> memref<1x128x128xf32, #tpu.memory_space<vmem>>
      %dma_start3A_660 = tpu.memref_squeeze %dma_start3A_659 : memref<1x128x128xf32, #tpu.memory_space<vmem>> -> memref<128x128xf32, #tpu.memory_space<vmem>>
      %dma_start3A_661 = arith.constant 0 : i32
      %dma_start3A_662 = tpu.memref_slice %arg5[%add3A_654, %dma_start3A_661] : memref<50x128xi32, #tpu.memory_space<vmem>> -> memref<1x128xi32, #tpu.memory_space<vmem>>
      %dma_start3A_663 = tpu.memref_squeeze %dma_start3A_662 : memref<1x128xi32, #tpu.memory_space<vmem>> -> memref<128xi32, #tpu.memory_space<vmem>>
      %dma_start3A_664 = arith.constant 0 : i32
      %dma_start3A_665 = arith.constant 0 : i32
      %dma_start3A_666 = tpu.memref_slice %arg7[%dma_start3A_664, %dma_start3A_665] : memref<1000x128xf32, #tpu.memory_space<vmem_shared>> -> memref<1000x128xf32, #tpu.memory_space<vmem_shared>>
      %dma_start3A_667 = tpu.memref_slice %arg8[%dma_start3A_656] : memref<4x!tpu.dma_semaphore, #tpu.memory_space<semaphore_mem>> -> memref<1x!tpu.dma_semaphore, #tpu.memory_space<semaphore_mem>>
      %dma_start3A_668 = tpu.memref_squeeze %dma_start3A_667 : memref<1x!tpu.dma_semaphore, #tpu.memory_space<semaphore_mem>> -> memref<!tpu.dma_semaphore, #tpu.memory_space<semaphore_mem>>
      tpu.enqueue_indirect_dma source(%dma_start3A_666 : memref<1000x128xf32, #tpu.memory_space<vmem_shared>>) target(%dma_start3A_660 : memref<128x128xf32, #tpu.memory_space<vmem>>) offsets(%dma_start3A_663 : memref<128xi32, #tpu.memory_space<vmem>>) semaphore(%dma_start3A_668 : memref<!tpu.dma_semaphore, #tpu.memory_space<semaphore_mem>>)
    }
    %scan3A_68 = arith.constant 11 : i32
    %dma_wait3A = arith.constant 44 : i32
    %dma_wait3A_69 = arith.constant 0 : i32
    %dma_wait3A_70 = arith.constant 0 : i32
    %dma_wait3A_71 = arith.constant 0 : i32
    %dma_wait3A_72 = arith.constant 0 : i32
    %dma_wait3A_73 = tpu.memref_slice %arg6[%dma_wait3A_69, %dma_wait3A_71, %dma_wait3A_72] : memref<4x128x128xf32, #tpu.memory_space<vmem>> -> memref<1x128x128xf32, #tpu.memory_space<vmem>>
    %dma_wait3A_74 = tpu.memref_squeeze %dma_wait3A_73 : memref<1x128x128xf32, #tpu.memory_space<vmem>> -> memref<128x128xf32, #tpu.memory_space<vmem>>
    %dma_wait3A_75 = arith.constant 0 : i32
    %dma_wait3A_76 = tpu.memref_slice %arg5[%dma_wait3A, %dma_wait3A_75] : memref<50x128xi32, #tpu.memory_space<vmem>> -> memref<1x128xi32, #tpu.memory_space<vmem>>
    %dma_wait3A_77 = tpu.memref_squeeze %dma_wait3A_76 : memref<1x128xi32, #tpu.memory_space<vmem>> -> memref<128xi32, #tpu.memory_space<vmem>>
    %dma_wait3A_78 = arith.constant 0 : i32
    %dma_wait3A_79 = arith.constant 0 : i32
    %dma_wait3A_80 = tpu.memref_slice %arg7[%dma_wait3A_78, %dma_wait3A_79] : memref<1000x128xf32, #tpu.memory_space<vmem_shared>> -> memref<1000x128xf32, #tpu.memory_space<vmem_shared>>
    %dma_wait3A_81 = tpu.memref_slice %arg8[%dma_wait3A_70] : memref<4x!tpu.dma_semaphore, #tpu.memory_space<semaphore_mem>> -> memref<1x!tpu.dma_semaphore, #tpu.memory_space<semaphore_mem>>
    %dma_wait3A_82 = tpu.memref_squeeze %dma_wait3A_81 : memref<1x!tpu.dma_semaphore, #tpu.memory_space<semaphore_mem>> -> memref<!tpu.dma_semaphore, #tpu.memory_space<semaphore_mem>>
    tpu.wait_indirect_dma semaphore(%dma_wait3A_82 : memref<!tpu.dma_semaphore, #tpu.memory_space<semaphore_mem>>) src(%dma_wait3A_80 : memref<1000x128xf32, #tpu.memory_space<vmem_shared>>) dst(%dma_wait3A_74 : memref<128x128xf32, #tpu.memory_space<vmem>>)
    %add3A_83 = arith.constant 180224 : i32
    %add3A_84 = arith.addi %add3A_83, %mul3A_2 : i32
    %dma_start3A_85 = arith.constant 0 : i32
    %dma_start3A_86 = arith.constant 0 : i32
    %dma_start3A_87 = arith.constant 0 : i32
    %dma_start3A_88 = arith.constant 0 : i32
    %dma_start3A_89 = tpu.memref_slice %arg6[%dma_start3A_85, %dma_start3A_87, %dma_start3A_88] : memref<4x128x128xf32, #tpu.memory_space<vmem>> -> memref<1x128x128xf32, #tpu.memory_space<vmem>>
    %dma_start3A_90 = tpu.memref_squeeze %dma_start3A_89 : memref<1x128x128xf32, #tpu.memory_space<vmem>> -> memref<128x128xf32, #tpu.memory_space<vmem>>
    %dma_start3A_91 = arith.constant 0 : i32
    %dma_start3A_92 = tpu.memref_slice %arg4[%add3A_84, %dma_start3A_91] : memref<204800x128xf32, #tpu.memory_space<hbm>> -> memref<128x128xf32, #tpu.memory_space<hbm>>
    %dma_start3A_93 = tpu.memref_slice %arg9[%dma_start3A_86] : memref<4x!tpu.dma_semaphore, #tpu.memory_space<semaphore_mem>> -> memref<1x!tpu.dma_semaphore, #tpu.memory_space<semaphore_mem>>
    %dma_start3A_94 = tpu.memref_squeeze %dma_start3A_93 : memref<1x!tpu.dma_semaphore, #tpu.memory_space<semaphore_mem>> -> memref<!tpu.dma_semaphore, #tpu.memory_space<semaphore_mem>>
    %dma_start3A_95 = arith.constant 0 : i32
    %dma_start3A_96 = tpu.memref_slice %arg4[%add3A_84, %dma_start3A_95] : memref<204800x128xf32, #tpu.memory_space<hbm>> -> memref<128x128xf32, #tpu.memory_space<hbm>>
    %dma_start3A_97 = arith.constant 0 : i32
    %dma_start3A_98 = arith.constant 0 : i32
    %dma_start3A_99 = tpu.memref_slice %arg6[%dma_start3A_85, %dma_start3A_97, %dma_start3A_98] : memref<4x128x128xf32, #tpu.memory_space<vmem>> -> memref<1x128x128xf32, #tpu.memory_space<vmem>>
    %dma_start3A_100 = tpu.memref_squeeze %dma_start3A_99 : memref<1x128x128xf32, #tpu.memory_space<vmem>> -> memref<128x128xf32, #tpu.memory_space<vmem>>
    tpu.enqueue_dma source(%dma_start3A_100 : memref<128x128xf32, #tpu.memory_space<vmem>>) target(%dma_start3A_96 : memref<128x128xf32, #tpu.memory_space<hbm>>) target_semaphore(%dma_start3A_94 : memref<!tpu.dma_semaphore, #tpu.memory_space<semaphore_mem>>)
    %dma_wait3A_101 = arith.constant 0 : i32
    %dma_wait3A_102 = arith.constant 0 : i32
    %dma_wait3A_103 = arith.constant 0 : i32
    %dma_wait3A_104 = arith.constant 0 : i32
    %dma_wait3A_105 = tpu.memref_slice %arg6[%dma_wait3A_101, %dma_wait3A_103, %dma_wait3A_104] : memref<4x128x128xf32, #tpu.memory_space<vmem>> -> memref<1x128x128xf32, #tpu.memory_space<vmem>>
    %dma_wait3A_106 = tpu.memref_squeeze %dma_wait3A_105 : memref<1x128x128xf32, #tpu.memory_space<vmem>> -> memref<128x128xf32, #tpu.memory_space<vmem>>
    %dma_wait3A_107 = arith.constant 0 : i32
    %dma_wait3A_108 = tpu.memref_slice %arg4[%add3A_84, %dma_wait3A_107] : memref<204800x128xf32, #tpu.memory_space<hbm>> -> memref<128x128xf32, #tpu.memory_space<hbm>>
    %dma_wait3A_109 = tpu.memref_slice %arg9[%dma_wait3A_102] : memref<4x!tpu.dma_semaphore, #tpu.memory_space<semaphore_mem>> -> memref<1x!tpu.dma_semaphore, #tpu.memory_space<semaphore_mem>>
    %dma_wait3A_110 = tpu.memref_squeeze %dma_wait3A_109 : memref<1x!tpu.dma_semaphore, #tpu.memory_space<semaphore_mem>> -> memref<!tpu.dma_semaphore, #tpu.memory_space<semaphore_mem>>
    %dma_wait3A_111 = arith.constant 0 : i32
    %dma_wait3A_112 = tpu.memref_slice %arg4[%add3A_84, %dma_wait3A_111] : memref<204800x128xf32, #tpu.memory_space<hbm>> -> memref<128x128xf32, #tpu.memory_space<hbm>>
    %dma_wait3A_113 = arith.constant 0 : i32
    %dma_wait3A_114 = arith.constant 0 : i32
    %dma_wait3A_115 = tpu.memref_slice %arg6[%dma_wait3A_101, %dma_wait3A_113, %dma_wait3A_114] : memref<4x128x128xf32, #tpu.memory_space<vmem>> -> memref<1x128x128xf32, #tpu.memory_space<vmem>>
    %dma_wait3A_116 = tpu.memref_squeeze %dma_wait3A_115 : memref<1x128x128xf32, #tpu.memory_space<vmem>> -> memref<128x128xf32, #tpu.memory_space<vmem>>
    tpu.wait_dma2 semaphore(%dma_wait3A_110 : memref<!tpu.dma_semaphore, #tpu.memory_space<semaphore_mem>>) src(%dma_wait3A_116 : memref<128x128xf32, #tpu.memory_space<vmem>>) dst(%dma_wait3A_112 : memref<128x128xf32, #tpu.memory_space<hbm>>)
    %dma_start3A_117 = arith.constant 48 : i32
    %dma_start3A_118 = arith.constant 0 : i32
    %dma_start3A_119 = arith.constant 0 : i32
    %dma_start3A_120 = arith.constant 0 : i32
    %dma_start3A_121 = arith.constant 0 : i32
    %dma_start3A_122 = tpu.memref_slice %arg6[%dma_start3A_118, %dma_start3A_120, %dma_start3A_121] : memref<4x128x128xf32, #tpu.memory_space<vmem>> -> memref<1x128x128xf32, #tpu.memory_space<vmem>>
    %dma_start3A_123 = tpu.memref_squeeze %dma_start3A_122 : memref<1x128x128xf32, #tpu.memory_space<vmem>> -> memref<128x128xf32, #tpu.memory_space<vmem>>
    %dma_start3A_124 = arith.constant 0 : i32
    %dma_start3A_125 = tpu.memref_slice %arg5[%dma_start3A_117, %dma_start3A_124] : memref<50x128xi32, #tpu.memory_space<vmem>> -> memref<1x128xi32, #tpu.memory_space<vmem>>
    %dma_start3A_126 = tpu.memref_squeeze %dma_start3A_125 : memref<1x128xi32, #tpu.memory_space<vmem>> -> memref<128xi32, #tpu.memory_space<vmem>>
    %dma_start3A_127 = arith.constant 0 : i32
    %dma_start3A_128 = arith.constant 0 : i32
    %dma_start3A_129 = tpu.memref_slice %arg7[%dma_start3A_127, %dma_start3A_128] : memref<1000x128xf32, #tpu.memory_space<vmem_shared>> -> memref<1000x128xf32, #tpu.memory_space<vmem_shared>>
    %dma_start3A_130 = tpu.memref_slice %arg8[%dma_start3A_119] : memref<4x!tpu.dma_semaphore, #tpu.memory_space<semaphore_mem>> -> memref<1x!tpu.dma_semaphore, #tpu.memory_space<semaphore_mem>>
    %dma_start3A_131 = tpu.memref_squeeze %dma_start3A_130 : memref<1x!tpu.dma_semaphore, #tpu.memory_space<semaphore_mem>> -> memref<!tpu.dma_semaphore, #tpu.memory_space<semaphore_mem>>
    tpu.enqueue_indirect_dma source(%dma_start3A_129 : memref<1000x128xf32, #tpu.memory_space<vmem_shared>>) target(%dma_start3A_123 : memref<128x128xf32, #tpu.memory_space<vmem>>) offsets(%dma_start3A_126 : memref<128xi32, #tpu.memory_space<vmem>>) semaphore(%dma_start3A_131 : memref<!tpu.dma_semaphore, #tpu.memory_space<semaphore_mem>>)
    %dma_wait3A_132 = arith.constant 45 : i32
    %dma_wait3A_133 = arith.constant 1 : i32
    %dma_wait3A_134 = arith.constant 1 : i32
    %dma_wait3A_135 = arith.constant 0 : i32
    %dma_wait3A_136 = arith.constant 0 : i32
    %dma_wait3A_137 = tpu.memref_slice %arg6[%dma_wait3A_133, %dma_wait3A_135, %dma_wait3A_136] : memref<4x128x128xf32, #tpu.memory_space<vmem>> -> memref<1x128x128xf32, #tpu.memory_space<vmem>>
    %dma_wait3A_138 = tpu.memref_squeeze %dma_wait3A_137 : memref<1x128x128xf32, #tpu.memory_space<vmem>> -> memref<128x128xf32, #tpu.memory_space<vmem>>
    %dma_wait3A_139 = arith.constant 0 : i32
    %dma_wait3A_140 = tpu.memref_slice %arg5[%dma_wait3A_132, %dma_wait3A_139] : memref<50x128xi32, #tpu.memory_space<vmem>> -> memref<1x128xi32, #tpu.memory_space<vmem>>
    %dma_wait3A_141 = tpu.memref_squeeze %dma_wait3A_140 : memref<1x128xi32, #tpu.memory_space<vmem>> -> memref<128xi32, #tpu.memory_space<vmem>>
    %dma_wait3A_142 = arith.constant 0 : i32
    %dma_wait3A_143 = arith.constant 0 : i32
    %dma_wait3A_144 = tpu.memref_slice %arg7[%dma_wait3A_142, %dma_wait3A_143] : memref<1000x128xf32, #tpu.memory_space<vmem_shared>> -> memref<1000x128xf32, #tpu.memory_space<vmem_shared>>
    %dma_wait3A_145 = tpu.memref_slice %arg8[%dma_wait3A_134] : memref<4x!tpu.dma_semaphore, #tpu.memory_space<semaphore_mem>> -> memref<1x!tpu.dma_semaphore, #tpu.memory_space<semaphore_mem>>
    %dma_wait3A_146 = tpu.memref_squeeze %dma_wait3A_145 : memref<1x!tpu.dma_semaphore, #tpu.memory_space<semaphore_mem>> -> memref<!tpu.dma_semaphore, #tpu.memory_space<semaphore_mem>>
    tpu.wait_indirect_dma semaphore(%dma_wait3A_146 : memref<!tpu.dma_semaphore, #tpu.memory_space<semaphore_mem>>) src(%dma_wait3A_144 : memref<1000x128xf32, #tpu.memory_space<vmem_shared>>) dst(%dma_wait3A_138 : memref<128x128xf32, #tpu.memory_space<vmem>>)
    %add3A_147 = arith.constant 184320 : i32
    %add3A_148 = arith.addi %add3A_147, %mul3A_2 : i32
    %dma_start3A_149 = arith.constant 1 : i32
    %dma_start3A_150 = arith.constant 1 : i32
    %dma_start3A_151 = arith.constant 0 : i32
    %dma_start3A_152 = arith.constant 0 : i32
    %dma_start3A_153 = tpu.memref_slice %arg6[%dma_start3A_149, %dma_start3A_151, %dma_start3A_152] : memref<4x128x128xf32, #tpu.memory_space<vmem>> -> memref<1x128x128xf32, #tpu.memory_space<vmem>>
    %dma_start3A_154 = tpu.memref_squeeze %dma_start3A_153 : memref<1x128x128xf32, #tpu.memory_space<vmem>> -> memref<128x128xf32, #tpu.memory_space<vmem>>
    %dma_start3A_155 = arith.constant 0 : i32
    %dma_start3A_156 = tpu.memref_slice %arg4[%add3A_148, %dma_start3A_155] : memref<204800x128xf32, #tpu.memory_space<hbm>> -> memref<128x128xf32, #tpu.memory_space<hbm>>
    %dma_start3A_157 = tpu.memref_slice %arg9[%dma_start3A_150] : memref<4x!tpu.dma_semaphore, #tpu.memory_space<semaphore_mem>> -> memref<1x!tpu.dma_semaphore, #tpu.memory_space<semaphore_mem>>
    %dma_start3A_158 = tpu.memref_squeeze %dma_start3A_157 : memref<1x!tpu.dma_semaphore, #tpu.memory_space<semaphore_mem>> -> memref<!tpu.dma_semaphore, #tpu.memory_space<semaphore_mem>>
    %dma_start3A_159 = arith.constant 0 : i32
    %dma_start3A_160 = tpu.memref_slice %arg4[%add3A_148, %dma_start3A_159] : memref<204800x128xf32, #tpu.memory_space<hbm>> -> memref<128x128xf32, #tpu.memory_space<hbm>>
    %dma_start3A_161 = arith.constant 0 : i32
    %dma_start3A_162 = arith.constant 0 : i32
    %dma_start3A_163 = tpu.memref_slice %arg6[%dma_start3A_149, %dma_start3A_161, %dma_start3A_162] : memref<4x128x128xf32, #tpu.memory_space<vmem>> -> memref<1x128x128xf32, #tpu.memory_space<vmem>>
    %dma_start3A_164 = tpu.memref_squeeze %dma_start3A_163 : memref<1x128x128xf32, #tpu.memory_space<vmem>> -> memref<128x128xf32, #tpu.memory_space<vmem>>
    tpu.enqueue_dma source(%dma_start3A_164 : memref<128x128xf32, #tpu.memory_space<vmem>>) target(%dma_start3A_160 : memref<128x128xf32, #tpu.memory_space<hbm>>) target_semaphore(%dma_start3A_158 : memref<!tpu.dma_semaphore, #tpu.memory_space<semaphore_mem>>)
    %dma_wait3A_165 = arith.constant 1 : i32
    %dma_wait3A_166 = arith.constant 1 : i32
    %dma_wait3A_167 = arith.constant 0 : i32
    %dma_wait3A_168 = arith.constant 0 : i32
    %dma_wait3A_169 = tpu.memref_slice %arg6[%dma_wait3A_165, %dma_wait3A_167, %dma_wait3A_168] : memref<4x128x128xf32, #tpu.memory_space<vmem>> -> memref<1x128x128xf32, #tpu.memory_space<vmem>>
    %dma_wait3A_170 = tpu.memref_squeeze %dma_wait3A_169 : memref<1x128x128xf32, #tpu.memory_space<vmem>> -> memref<128x128xf32, #tpu.memory_space<vmem>>
    %dma_wait3A_171 = arith.constant 0 : i32
    %dma_wait3A_172 = tpu.memref_slice %arg4[%add3A_148, %dma_wait3A_171] : memref<204800x128xf32, #tpu.memory_space<hbm>> -> memref<128x128xf32, #tpu.memory_space<hbm>>
    %dma_wait3A_173 = tpu.memref_slice %arg9[%dma_wait3A_166] : memref<4x!tpu.dma_semaphore, #tpu.memory_space<semaphore_mem>> -> memref<1x!tpu.dma_semaphore, #tpu.memory_space<semaphore_mem>>
    %dma_wait3A_174 = tpu.memref_squeeze %dma_wait3A_173 : memref<1x!tpu.dma_semaphore, #tpu.memory_space<semaphore_mem>> -> memref<!tpu.dma_semaphore, #tpu.memory_space<semaphore_mem>>
    %dma_wait3A_175 = arith.constant 0 : i32
    %dma_wait3A_176 = tpu.memref_slice %arg4[%add3A_148, %dma_wait3A_175] : memref<204800x128xf32, #tpu.memory_space<hbm>> -> memref<128x128xf32, #tpu.memory_space<hbm>>
    %dma_wait3A_177 = arith.constant 0 : i32
    %dma_wait3A_178 = arith.constant 0 : i32
    %dma_wait3A_179 = tpu.memref_slice %arg6[%dma_wait3A_165, %dma_wait3A_177, %dma_wait3A_178] : memref<4x128x128xf32, #tpu.memory_space<vmem>> -> memref<1x128x128xf32, #tpu.memory_space<vmem>>
    %dma_wait3A_180 = tpu.memref_squeeze %dma_wait3A_179 : memref<1x128x128xf32, #tpu.memory_space<vmem>> -> memref<128x128xf32, #tpu.memory_space<vmem>>
    tpu.wait_dma2 semaphore(%dma_wait3A_174 : memref<!tpu.dma_semaphore, #tpu.memory_space<semaphore_mem>>) src(%dma_wait3A_180 : memref<128x128xf32, #tpu.memory_space<vmem>>) dst(%dma_wait3A_176 : memref<128x128xf32, #tpu.memory_space<hbm>>)
    %dma_start3A_181 = arith.constant 49 : i32
    %dma_start3A_182 = arith.constant 1 : i32
    %dma_start3A_183 = arith.constant 1 : i32
    %dma_start3A_184 = arith.constant 0 : i32
    %dma_start3A_185 = arith.constant 0 : i32
    %dma_start3A_186 = tpu.memref_slice %arg6[%dma_start3A_182, %dma_start3A_184, %dma_start3A_185] : memref<4x128x128xf32, #tpu.memory_space<vmem>> -> memref<1x128x128xf32, #tpu.memory_space<vmem>>
    %dma_start3A_187 = tpu.memref_squeeze %dma_start3A_186 : memref<1x128x128xf32, #tpu.memory_space<vmem>> -> memref<128x128xf32, #tpu.memory_space<vmem>>
    %dma_start3A_188 = arith.constant 0 : i32
    %dma_start3A_189 = tpu.memref_slice %arg5[%dma_start3A_181, %dma_start3A_188] : memref<50x128xi32, #tpu.memory_space<vmem>> -> memref<1x128xi32, #tpu.memory_space<vmem>>
    %dma_start3A_190 = tpu.memref_squeeze %dma_start3A_189 : memref<1x128xi32, #tpu.memory_space<vmem>> -> memref<128xi32, #tpu.memory_space<vmem>>
    %dma_start3A_191 = arith.constant 0 : i32
    %dma_start3A_192 = arith.constant 0 : i32
    %dma_start3A_193 = tpu.memref_slice %arg7[%dma_start3A_191, %dma_start3A_192] : memref<1000x128xf32, #tpu.memory_space<vmem_shared>> -> memref<1000x128xf32, #tpu.memory_space<vmem_shared>>
    %dma_start3A_194 = tpu.memref_slice %arg8[%dma_start3A_183] : memref<4x!tpu.dma_semaphore, #tpu.memory_space<semaphore_mem>> -> memref<1x!tpu.dma_semaphore, #tpu.memory_space<semaphore_mem>>
    %dma_start3A_195 = tpu.memref_squeeze %dma_start3A_194 : memref<1x!tpu.dma_semaphore, #tpu.memory_space<semaphore_mem>> -> memref<!tpu.dma_semaphore, #tpu.memory_space<semaphore_mem>>
    tpu.enqueue_indirect_dma source(%dma_start3A_193 : memref<1000x128xf32, #tpu.memory_space<vmem_shared>>) target(%dma_start3A_187 : memref<128x128xf32, #tpu.memory_space<vmem>>) offsets(%dma_start3A_190 : memref<128xi32, #tpu.memory_space<vmem>>) semaphore(%dma_start3A_195 : memref<!tpu.dma_semaphore, #tpu.memory_space<semaphore_mem>>)
    %dma_wait3A_196 = arith.constant 46 : i32
    %dma_wait3A_197 = arith.constant 2 : i32
    %dma_wait3A_198 = arith.constant 2 : i32
    %dma_wait3A_199 = arith.constant 0 : i32
    %dma_wait3A_200 = arith.constant 0 : i32
    %dma_wait3A_201 = tpu.memref_slice %arg6[%dma_wait3A_197, %dma_wait3A_199, %dma_wait3A_200] : memref<4x128x128xf32, #tpu.memory_space<vmem>> -> memref<1x128x128xf32, #tpu.memory_space<vmem>>
    %dma_wait3A_202 = tpu.memref_squeeze %dma_wait3A_201 : memref<1x128x128xf32, #tpu.memory_space<vmem>> -> memref<128x128xf32, #tpu.memory_space<vmem>>
    %dma_wait3A_203 = arith.constant 0 : i32
    %dma_wait3A_204 = tpu.memref_slice %arg5[%dma_wait3A_196, %dma_wait3A_203] : memref<50x128xi32, #tpu.memory_space<vmem>> -> memref<1x128xi32, #tpu.memory_space<vmem>>
    %dma_wait3A_205 = tpu.memref_squeeze %dma_wait3A_204 : memref<1x128xi32, #tpu.memory_space<vmem>> -> memref<128xi32, #tpu.memory_space<vmem>>
    %dma_wait3A_206 = arith.constant 0 : i32
    %dma_wait3A_207 = arith.constant 0 : i32
    %dma_wait3A_208 = tpu.memref_slice %arg7[%dma_wait3A_206, %dma_wait3A_207] : memref<1000x128xf32, #tpu.memory_space<vmem_shared>> -> memref<1000x128xf32, #tpu.memory_space<vmem_shared>>
    %dma_wait3A_209 = tpu.memref_slice %arg8[%dma_wait3A_198] : memref<4x!tpu.dma_semaphore, #tpu.memory_space<semaphore_mem>> -> memref<1x!tpu.dma_semaphore, #tpu.memory_space<semaphore_mem>>
    %dma_wait3A_210 = tpu.memref_squeeze %dma_wait3A_209 : memref<1x!tpu.dma_semaphore, #tpu.memory_space<semaphore_mem>> -> memref<!tpu.dma_semaphore, #tpu.memory_space<semaphore_mem>>
    tpu.wait_indirect_dma semaphore(%dma_wait3A_210 : memref<!tpu.dma_semaphore, #tpu.memory_space<semaphore_mem>>) src(%dma_wait3A_208 : memref<1000x128xf32, #tpu.memory_space<vmem_shared>>) dst(%dma_wait3A_202 : memref<128x128xf32, #tpu.memory_space<vmem>>)
    %add3A_211 = arith.constant 188416 : i32
    %add3A_212 = arith.addi %add3A_211, %mul3A_2 : i32
    %dma_start3A_213 = arith.constant 2 : i32
    %dma_start3A_214 = arith.constant 2 : i32
    %dma_start3A_215 = arith.constant 0 : i32
    %dma_start3A_216 = arith.constant 0 : i32
    %dma_start3A_217 = tpu.memref_slice %arg6[%dma_start3A_213, %dma_start3A_215, %dma_start3A_216] : memref<4x128x128xf32, #tpu.memory_space<vmem>> -> memref<1x128x128xf32, #tpu.memory_space<vmem>>
    %dma_start3A_218 = tpu.memref_squeeze %dma_start3A_217 : memref<1x128x128xf32, #tpu.memory_space<vmem>> -> memref<128x128xf32, #tpu.memory_space<vmem>>
    %dma_start3A_219 = arith.constant 0 : i32
    %dma_start3A_220 = tpu.memref_slice %arg4[%add3A_212, %dma_start3A_219] : memref<204800x128xf32, #tpu.memory_space<hbm>> -> memref<128x128xf32, #tpu.memory_space<hbm>>
    %dma_start3A_221 = tpu.memref_slice %arg9[%dma_start3A_214] : memref<4x!tpu.dma_semaphore, #tpu.memory_space<semaphore_mem>> -> memref<1x!tpu.dma_semaphore, #tpu.memory_space<semaphore_mem>>
    %dma_start3A_222 = tpu.memref_squeeze %dma_start3A_221 : memref<1x!tpu.dma_semaphore, #tpu.memory_space<semaphore_mem>> -> memref<!tpu.dma_semaphore, #tpu.memory_space<semaphore_mem>>
    %dma_start3A_223 = arith.constant 0 : i32
    %dma_start3A_224 = tpu.memref_slice %arg4[%add3A_212, %dma_start3A_223] : memref<204800x128xf32, #tpu.memory_space<hbm>> -> memref<128x128xf32, #tpu.memory_space<hbm>>
    %dma_start3A_225 = arith.constant 0 : i32
    %dma_start3A_226 = arith.constant 0 : i32
    %dma_start3A_227 = tpu.memref_slice %arg6[%dma_start3A_213, %dma_start3A_225, %dma_start3A_226] : memref<4x128x128xf32, #tpu.memory_space<vmem>> -> memref<1x128x128xf32, #tpu.memory_space<vmem>>
    %dma_start3A_228 = tpu.memref_squeeze %dma_start3A_227 : memref<1x128x128xf32, #tpu.memory_space<vmem>> -> memref<128x128xf32, #tpu.memory_space<vmem>>
    tpu.enqueue_dma source(%dma_start3A_228 : memref<128x128xf32, #tpu.memory_space<vmem>>) target(%dma_start3A_224 : memref<128x128xf32, #tpu.memory_space<hbm>>) target_semaphore(%dma_start3A_222 : memref<!tpu.dma_semaphore, #tpu.memory_space<semaphore_mem>>)
    %dma_wait3A_229 = arith.constant 2 : i32
    %dma_wait3A_230 = arith.constant 2 : i32
    %dma_wait3A_231 = arith.constant 0 : i32
    %dma_wait3A_232 = arith.constant 0 : i32
    %dma_wait3A_233 = tpu.memref_slice %arg6[%dma_wait3A_229, %dma_wait3A_231, %dma_wait3A_232] : memref<4x128x128xf32, #tpu.memory_space<vmem>> -> memref<1x128x128xf32, #tpu.memory_space<vmem>>
    %dma_wait3A_234 = tpu.memref_squeeze %dma_wait3A_233 : memref<1x128x128xf32, #tpu.memory_space<vmem>> -> memref<128x128xf32, #tpu.memory_space<vmem>>
    %dma_wait3A_235 = arith.constant 0 : i32
    %dma_wait3A_236 = tpu.memref_slice %arg4[%add3A_212, %dma_wait3A_235] : memref<204800x128xf32, #tpu.memory_space<hbm>> -> memref<128x128xf32, #tpu.memory_space<hbm>>
    %dma_wait3A_237 = tpu.memref_slice %arg9[%dma_wait3A_230] : memref<4x!tpu.dma_semaphore, #tpu.memory_space<semaphore_mem>> -> memref<1x!tpu.dma_semaphore, #tpu.memory_space<semaphore_mem>>
    %dma_wait3A_238 = tpu.memref_squeeze %dma_wait3A_237 : memref<1x!tpu.dma_semaphore, #tpu.memory_space<semaphore_mem>> -> memref<!tpu.dma_semaphore, #tpu.memory_space<semaphore_mem>>
    %dma_wait3A_239 = arith.constant 0 : i32
    %dma_wait3A_240 = tpu.memref_slice %arg4[%add3A_212, %dma_wait3A_239] : memref<204800x128xf32, #tpu.memory_space<hbm>> -> memref<128x128xf32, #tpu.memory_space<hbm>>
    %dma_wait3A_241 = arith.constant 0 : i32
    %dma_wait3A_242 = arith.constant 0 : i32
    %dma_wait3A_243 = tpu.memref_slice %arg6[%dma_wait3A_229, %dma_wait3A_241, %dma_wait3A_242] : memref<4x128x128xf32, #tpu.memory_space<vmem>> -> memref<1x128x128xf32, #tpu.memory_space<vmem>>
    %dma_wait3A_244 = tpu.memref_squeeze %dma_wait3A_243 : memref<1x128x128xf32, #tpu.memory_space<vmem>> -> memref<128x128xf32, #tpu.memory_space<vmem>>
    tpu.wait_dma2 semaphore(%dma_wait3A_238 : memref<!tpu.dma_semaphore, #tpu.memory_space<semaphore_mem>>) src(%dma_wait3A_244 : memref<128x128xf32, #tpu.memory_space<vmem>>) dst(%dma_wait3A_240 : memref<128x128xf32, #tpu.memory_space<hbm>>)
    %dma_wait3A_245 = arith.constant 47 : i32
    %dma_wait3A_246 = arith.constant 3 : i32
    %dma_wait3A_247 = arith.constant 3 : i32
    %dma_wait3A_248 = arith.constant 0 : i32
    %dma_wait3A_249 = arith.constant 0 : i32
    %dma_wait3A_250 = tpu.memref_slice %arg6[%dma_wait3A_246, %dma_wait3A_248, %dma_wait3A_249] : memref<4x128x128xf32, #tpu.memory_space<vmem>> -> memref<1x128x128xf32, #tpu.memory_space<vmem>>
    %dma_wait3A_251 = tpu.memref_squeeze %dma_wait3A_250 : memref<1x128x128xf32, #tpu.memory_space<vmem>> -> memref<128x128xf32, #tpu.memory_space<vmem>>
    %dma_wait3A_252 = arith.constant 0 : i32
    %dma_wait3A_253 = tpu.memref_slice %arg5[%dma_wait3A_245, %dma_wait3A_252] : memref<50x128xi32, #tpu.memory_space<vmem>> -> memref<1x128xi32, #tpu.memory_space<vmem>>
    %dma_wait3A_254 = tpu.memref_squeeze %dma_wait3A_253 : memref<1x128xi32, #tpu.memory_space<vmem>> -> memref<128xi32, #tpu.memory_space<vmem>>
    %dma_wait3A_255 = arith.constant 0 : i32
    %dma_wait3A_256 = arith.constant 0 : i32
    %dma_wait3A_257 = tpu.memref_slice %arg7[%dma_wait3A_255, %dma_wait3A_256] : memref<1000x128xf32, #tpu.memory_space<vmem_shared>> -> memref<1000x128xf32, #tpu.memory_space<vmem_shared>>
    %dma_wait3A_258 = tpu.memref_slice %arg8[%dma_wait3A_247] : memref<4x!tpu.dma_semaphore, #tpu.memory_space<semaphore_mem>> -> memref<1x!tpu.dma_semaphore, #tpu.memory_space<semaphore_mem>>
    %dma_wait3A_259 = tpu.memref_squeeze %dma_wait3A_258 : memref<1x!tpu.dma_semaphore, #tpu.memory_space<semaphore_mem>> -> memref<!tpu.dma_semaphore, #tpu.memory_space<semaphore_mem>>
    tpu.wait_indirect_dma semaphore(%dma_wait3A_259 : memref<!tpu.dma_semaphore, #tpu.memory_space<semaphore_mem>>) src(%dma_wait3A_257 : memref<1000x128xf32, #tpu.memory_space<vmem_shared>>) dst(%dma_wait3A_251 : memref<128x128xf32, #tpu.memory_space<vmem>>)
    %add3A_260 = arith.constant 192512 : i32
    %add3A_261 = arith.addi %add3A_260, %mul3A_2 : i32
    %dma_start3A_262 = arith.constant 3 : i32
    %dma_start3A_263 = arith.constant 3 : i32
    %dma_start3A_264 = arith.constant 0 : i32
    %dma_start3A_265 = arith.constant 0 : i32
    %dma_start3A_266 = tpu.memref_slice %arg6[%dma_start3A_262, %dma_start3A_264, %dma_start3A_265] : memref<4x128x128xf32, #tpu.memory_space<vmem>> -> memref<1x128x128xf32, #tpu.memory_space<vmem>>
    %dma_start3A_267 = tpu.memref_squeeze %dma_start3A_266 : memref<1x128x128xf32, #tpu.memory_space<vmem>> -> memref<128x128xf32, #tpu.memory_space<vmem>>
    %dma_start3A_268 = arith.constant 0 : i32
    %dma_start3A_269 = tpu.memref_slice %arg4[%add3A_261, %dma_start3A_268] : memref<204800x128xf32, #tpu.memory_space<hbm>> -> memref<128x128xf32, #tpu.memory_space<hbm>>
    %dma_start3A_270 = tpu.memref_slice %arg9[%dma_start3A_263] : memref<4x!tpu.dma_semaphore, #tpu.memory_space<semaphore_mem>> -> memref<1x!tpu.dma_semaphore, #tpu.memory_space<semaphore_mem>>
    %dma_start3A_271 = tpu.memref_squeeze %dma_start3A_270 : memref<1x!tpu.dma_semaphore, #tpu.memory_space<semaphore_mem>> -> memref<!tpu.dma_semaphore, #tpu.memory_space<semaphore_mem>>
    %dma_start3A_272 = arith.constant 0 : i32
    %dma_start3A_273 = tpu.memref_slice %arg4[%add3A_261, %dma_start3A_272] : memref<204800x128xf32, #tpu.memory_space<hbm>> -> memref<128x128xf32, #tpu.memory_space<hbm>>
    %dma_start3A_274 = arith.constant 0 : i32
    %dma_start3A_275 = arith.constant 0 : i32
    %dma_start3A_276 = tpu.memref_slice %arg6[%dma_start3A_262, %dma_start3A_274, %dma_start3A_275] : memref<4x128x128xf32, #tpu.memory_space<vmem>> -> memref<1x128x128xf32, #tpu.memory_space<vmem>>
    %dma_start3A_277 = tpu.memref_squeeze %dma_start3A_276 : memref<1x128x128xf32, #tpu.memory_space<vmem>> -> memref<128x128xf32, #tpu.memory_space<vmem>>
    tpu.enqueue_dma source(%dma_start3A_277 : memref<128x128xf32, #tpu.memory_space<vmem>>) target(%dma_start3A_273 : memref<128x128xf32, #tpu.memory_space<hbm>>) target_semaphore(%dma_start3A_271 : memref<!tpu.dma_semaphore, #tpu.memory_space<semaphore_mem>>)
    %dma_wait3A_278 = arith.constant 3 : i32
    %dma_wait3A_279 = arith.constant 3 : i32
    %dma_wait3A_280 = arith.constant 0 : i32
    %dma_wait3A_281 = arith.constant 0 : i32
    %dma_wait3A_282 = tpu.memref_slice %arg6[%dma_wait3A_278, %dma_wait3A_280, %dma_wait3A_281] : memref<4x128x128xf32, #tpu.memory_space<vmem>> -> memref<1x128x128xf32, #tpu.memory_space<vmem>>
    %dma_wait3A_283 = tpu.memref_squeeze %dma_wait3A_282 : memref<1x128x128xf32, #tpu.memory_space<vmem>> -> memref<128x128xf32, #tpu.memory_space<vmem>>
    %dma_wait3A_284 = arith.constant 0 : i32
    %dma_wait3A_285 = tpu.memref_slice %arg4[%add3A_261, %dma_wait3A_284] : memref<204800x128xf32, #tpu.memory_space<hbm>> -> memref<128x128xf32, #tpu.memory_space<hbm>>
    %dma_wait3A_286 = tpu.memref_slice %arg9[%dma_wait3A_279] : memref<4x!tpu.dma_semaphore, #tpu.memory_space<semaphore_mem>> -> memref<1x!tpu.dma_semaphore, #tpu.memory_space<semaphore_mem>>
    %dma_wait3A_287 = tpu.memref_squeeze %dma_wait3A_286 : memref<1x!tpu.dma_semaphore, #tpu.memory_space<semaphore_mem>> -> memref<!tpu.dma_semaphore, #tpu.memory_space<semaphore_mem>>
    %dma_wait3A_288 = arith.constant 0 : i32
    %dma_wait3A_289 = tpu.memref_slice %arg4[%add3A_261, %dma_wait3A_288] : memref<204800x128xf32, #tpu.memory_space<hbm>> -> memref<128x128xf32, #tpu.memory_space<hbm>>
    %dma_wait3A_290 = arith.constant 0 : i32
    %dma_wait3A_291 = arith.constant 0 : i32
    %dma_wait3A_292 = tpu.memref_slice %arg6[%dma_wait3A_278, %dma_wait3A_290, %dma_wait3A_291] : memref<4x128x128xf32, #tpu.memory_space<vmem>> -> memref<1x128x128xf32, #tpu.memory_space<vmem>>
    %dma_wait3A_293 = tpu.memref_squeeze %dma_wait3A_292 : memref<1x128x128xf32, #tpu.memory_space<vmem>> -> memref<128x128xf32, #tpu.memory_space<vmem>>
    tpu.wait_dma2 semaphore(%dma_wait3A_287 : memref<!tpu.dma_semaphore, #tpu.memory_space<semaphore_mem>>) src(%dma_wait3A_293 : memref<128x128xf32, #tpu.memory_space<vmem>>) dst(%dma_wait3A_289 : memref<128x128xf32, #tpu.memory_space<hbm>>)
    %dma_wait3A_294 = arith.constant 48 : i32
    %dma_wait3A_295 = arith.constant 0 : i32
    %dma_wait3A_296 = arith.constant 0 : i32
    %dma_wait3A_297 = arith.constant 0 : i32
    %dma_wait3A_298 = arith.constant 0 : i32
    %dma_wait3A_299 = tpu.memref_slice %arg6[%dma_wait3A_295, %dma_wait3A_297, %dma_wait3A_298] : memref<4x128x128xf32, #tpu.memory_space<vmem>> -> memref<1x128x128xf32, #tpu.memory_space<vmem>>
    %dma_wait3A_300 = tpu.memref_squeeze %dma_wait3A_299 : memref<1x128x128xf32, #tpu.memory_space<vmem>> -> memref<128x128xf32, #tpu.memory_space<vmem>>
    %dma_wait3A_301 = arith.constant 0 : i32
    %dma_wait3A_302 = tpu.memref_slice %arg5[%dma_wait3A_294, %dma_wait3A_301] : memref<50x128xi32, #tpu.memory_space<vmem>> -> memref<1x128xi32, #tpu.memory_space<vmem>>
    %dma_wait3A_303 = tpu.memref_squeeze %dma_wait3A_302 : memref<1x128xi32, #tpu.memory_space<vmem>> -> memref<128xi32, #tpu.memory_space<vmem>>
    %dma_wait3A_304 = arith.constant 0 : i32
    %dma_wait3A_305 = arith.constant 0 : i32
    %dma_wait3A_306 = tpu.memref_slice %arg7[%dma_wait3A_304, %dma_wait3A_305] : memref<1000x128xf32, #tpu.memory_space<vmem_shared>> -> memref<1000x128xf32, #tpu.memory_space<vmem_shared>>
    %dma_wait3A_307 = tpu.memref_slice %arg8[%dma_wait3A_296] : memref<4x!tpu.dma_semaphore, #tpu.memory_space<semaphore_mem>> -> memref<1x!tpu.dma_semaphore, #tpu.memory_space<semaphore_mem>>
    %dma_wait3A_308 = tpu.memref_squeeze %dma_wait3A_307 : memref<1x!tpu.dma_semaphore, #tpu.memory_space<semaphore_mem>> -> memref<!tpu.dma_semaphore, #tpu.memory_space<semaphore_mem>>
    tpu.wait_indirect_dma semaphore(%dma_wait3A_308 : memref<!tpu.dma_semaphore, #tpu.memory_space<semaphore_mem>>) src(%dma_wait3A_306 : memref<1000x128xf32, #tpu.memory_space<vmem_shared>>) dst(%dma_wait3A_300 : memref<128x128xf32, #tpu.memory_space<vmem>>)
    %add3A_309 = arith.constant 196608 : i32
    %add3A_310 = arith.addi %add3A_309, %mul3A_2 : i32
    %dma_start3A_311 = arith.constant 0 : i32
    %dma_start3A_312 = arith.constant 0 : i32
    %dma_start3A_313 = arith.constant 0 : i32
    %dma_start3A_314 = arith.constant 0 : i32
    %dma_start3A_315 = tpu.memref_slice %arg6[%dma_start3A_311, %dma_start3A_313, %dma_start3A_314] : memref<4x128x128xf32, #tpu.memory_space<vmem>> -> memref<1x128x128xf32, #tpu.memory_space<vmem>>
    %dma_start3A_316 = tpu.memref_squeeze %dma_start3A_315 : memref<1x128x128xf32, #tpu.memory_space<vmem>> -> memref<128x128xf32, #tpu.memory_space<vmem>>
    %dma_start3A_317 = arith.constant 0 : i32
    %dma_start3A_318 = tpu.memref_slice %arg4[%add3A_310, %dma_start3A_317] : memref<204800x128xf32, #tpu.memory_space<hbm>> -> memref<128x128xf32, #tpu.memory_space<hbm>>
    %dma_start3A_319 = tpu.memref_slice %arg9[%dma_start3A_312] : memref<4x!tpu.dma_semaphore, #tpu.memory_space<semaphore_mem>> -> memref<1x!tpu.dma_semaphore, #tpu.memory_space<semaphore_mem>>
    %dma_start3A_320 = tpu.memref_squeeze %dma_start3A_319 : memref<1x!tpu.dma_semaphore, #tpu.memory_space<semaphore_mem>> -> memref<!tpu.dma_semaphore, #tpu.memory_space<semaphore_mem>>
    %dma_start3A_321 = arith.constant 0 : i32
    %dma_start3A_322 = tpu.memref_slice %arg4[%add3A_310, %dma_start3A_321] : memref<204800x128xf32, #tpu.memory_space<hbm>> -> memref<128x128xf32, #tpu.memory_space<hbm>>
    %dma_start3A_323 = arith.constant 0 : i32
    %dma_start3A_324 = arith.constant 0 : i32
    %dma_start3A_325 = tpu.memref_slice %arg6[%dma_start3A_311, %dma_start3A_323, %dma_start3A_324] : memref<4x128x128xf32, #tpu.memory_space<vmem>> -> memref<1x128x128xf32, #tpu.memory_space<vmem>>
    %dma_start3A_326 = tpu.memref_squeeze %dma_start3A_325 : memref<1x128x128xf32, #tpu.memory_space<vmem>> -> memref<128x128xf32, #tpu.memory_space<vmem>>
    tpu.enqueue_dma source(%dma_start3A_326 : memref<128x128xf32, #tpu.memory_space<vmem>>) target(%dma_start3A_322 : memref<128x128xf32, #tpu.memory_space<hbm>>) target_semaphore(%dma_start3A_320 : memref<!tpu.dma_semaphore, #tpu.memory_space<semaphore_mem>>)
    %dma_wait3A_327 = arith.constant 0 : i32
    %dma_wait3A_328 = arith.constant 0 : i32
    %dma_wait3A_329 = arith.constant 0 : i32
    %dma_wait3A_330 = arith.constant 0 : i32
    %dma_wait3A_331 = tpu.memref_slice %arg6[%dma_wait3A_327, %dma_wait3A_329, %dma_wait3A_330] : memref<4x128x128xf32, #tpu.memory_space<vmem>> -> memref<1x128x128xf32, #tpu.memory_space<vmem>>
    %dma_wait3A_332 = tpu.memref_squeeze %dma_wait3A_331 : memref<1x128x128xf32, #tpu.memory_space<vmem>> -> memref<128x128xf32, #tpu.memory_space<vmem>>
    %dma_wait3A_333 = arith.constant 0 : i32
    %dma_wait3A_334 = tpu.memref_slice %arg4[%add3A_310, %dma_wait3A_333] : memref<204800x128xf32, #tpu.memory_space<hbm>> -> memref<128x128xf32, #tpu.memory_space<hbm>>
    %dma_wait3A_335 = tpu.memref_slice %arg9[%dma_wait3A_328] : memref<4x!tpu.dma_semaphore, #tpu.memory_space<semaphore_mem>> -> memref<1x!tpu.dma_semaphore, #tpu.memory_space<semaphore_mem>>
    %dma_wait3A_336 = tpu.memref_squeeze %dma_wait3A_335 : memref<1x!tpu.dma_semaphore, #tpu.memory_space<semaphore_mem>> -> memref<!tpu.dma_semaphore, #tpu.memory_space<semaphore_mem>>
    %dma_wait3A_337 = arith.constant 0 : i32
    %dma_wait3A_338 = tpu.memref_slice %arg4[%add3A_310, %dma_wait3A_337] : memref<204800x128xf32, #tpu.memory_space<hbm>> -> memref<128x128xf32, #tpu.memory_space<hbm>>
    %dma_wait3A_339 = arith.constant 0 : i32
    %dma_wait3A_340 = arith.constant 0 : i32
    %dma_wait3A_341 = tpu.memref_slice %arg6[%dma_wait3A_327, %dma_wait3A_339, %dma_wait3A_340] : memref<4x128x128xf32, #tpu.memory_space<vmem>> -> memref<1x128x128xf32, #tpu.memory_space<vmem>>
    %dma_wait3A_342 = tpu.memref_squeeze %dma_wait3A_341 : memref<1x128x128xf32, #tpu.memory_space<vmem>> -> memref<128x128xf32, #tpu.memory_space<vmem>>
    tpu.wait_dma2 semaphore(%dma_wait3A_336 : memref<!tpu.dma_semaphore, #tpu.memory_space<semaphore_mem>>) src(%dma_wait3A_342 : memref<128x128xf32, #tpu.memory_space<vmem>>) dst(%dma_wait3A_338 : memref<128x128xf32, #tpu.memory_space<hbm>>)
    %dma_wait3A_343 = arith.constant 49 : i32
    %dma_wait3A_344 = arith.constant 1 : i32
    %dma_wait3A_345 = arith.constant 1 : i32
    %dma_wait3A_346 = arith.constant 0 : i32
    %dma_wait3A_347 = arith.constant 0 : i32
    %dma_wait3A_348 = tpu.memref_slice %arg6[%dma_wait3A_344, %dma_wait3A_346, %dma_wait3A_347] : memref<4x128x128xf32, #tpu.memory_space<vmem>> -> memref<1x128x128xf32, #tpu.memory_space<vmem>>
    %dma_wait3A_349 = tpu.memref_squeeze %dma_wait3A_348 : memref<1x128x128xf32, #tpu.memory_space<vmem>> -> memref<128x128xf32, #tpu.memory_space<vmem>>
    %dma_wait3A_350 = arith.constant 0 : i32
    %dma_wait3A_351 = tpu.memref_slice %arg5[%dma_wait3A_343, %dma_wait3A_350] : memref<50x128xi32, #tpu.memory_space<vmem>> -> memref<1x128xi32, #tpu.memory_space<vmem>>
    %dma_wait3A_352 = tpu.memref_squeeze %dma_wait3A_351 : memref<1x128xi32, #tpu.memory_space<vmem>> -> memref<128xi32, #tpu.memory_space<vmem>>
    %dma_wait3A_353 = arith.constant 0 : i32
    %dma_wait3A_354 = arith.constant 0 : i32
    %dma_wait3A_355 = tpu.memref_slice %arg7[%dma_wait3A_353, %dma_wait3A_354] : memref<1000x128xf32, #tpu.memory_space<vmem_shared>> -> memref<1000x128xf32, #tpu.memory_space<vmem_shared>>
    %dma_wait3A_356 = tpu.memref_slice %arg8[%dma_wait3A_345] : memref<4x!tpu.dma_semaphore, #tpu.memory_space<semaphore_mem>> -> memref<1x!tpu.dma_semaphore, #tpu.memory_space<semaphore_mem>>
    %dma_wait3A_357 = tpu.memref_squeeze %dma_wait3A_356 : memref<1x!tpu.dma_semaphore, #tpu.memory_space<semaphore_mem>> -> memref<!tpu.dma_semaphore, #tpu.memory_space<semaphore_mem>>
    tpu.wait_indirect_dma semaphore(%dma_wait3A_357 : memref<!tpu.dma_semaphore, #tpu.memory_space<semaphore_mem>>) src(%dma_wait3A_355 : memref<1000x128xf32, #tpu.memory_space<vmem_shared>>) dst(%dma_wait3A_349 : memref<128x128xf32, #tpu.memory_space<vmem>>)
    %add3A_358 = arith.constant 200704 : i32
    %add3A_359 = arith.addi %add3A_358, %mul3A_2 : i32
    %dma_start3A_360 = arith.constant 1 : i32
    %dma_start3A_361 = arith.constant 1 : i32
    %dma_start3A_362 = arith.constant 0 : i32
    %dma_start3A_363 = arith.constant 0 : i32
    %dma_start3A_364 = tpu.memref_slice %arg6[%dma_start3A_360, %dma_start3A_362, %dma_start3A_363] : memref<4x128x128xf32, #tpu.memory_space<vmem>> -> memref<1x128x128xf32, #tpu.memory_space<vmem>>
    %dma_start3A_365 = tpu.memref_squeeze %dma_start3A_364 : memref<1x128x128xf32, #tpu.memory_space<vmem>> -> memref<128x128xf32, #tpu.memory_space<vmem>>
    %dma_start3A_366 = arith.constant 0 : i32
    %dma_start3A_367 = tpu.memref_slice %arg4[%add3A_359, %dma_start3A_366] : memref<204800x128xf32, #tpu.memory_space<hbm>> -> memref<128x128xf32, #tpu.memory_space<hbm>>
    %dma_start3A_368 = tpu.memref_slice %arg9[%dma_start3A_361] : memref<4x!tpu.dma_semaphore, #tpu.memory_space<semaphore_mem>> -> memref<1x!tpu.dma_semaphore, #tpu.memory_space<semaphore_mem>>
    %dma_start3A_369 = tpu.memref_squeeze %dma_start3A_368 : memref<1x!tpu.dma_semaphore, #tpu.memory_space<semaphore_mem>> -> memref<!tpu.dma_semaphore, #tpu.memory_space<semaphore_mem>>
    %dma_start3A_370 = arith.constant 0 : i32
    %dma_start3A_371 = tpu.memref_slice %arg4[%add3A_359, %dma_start3A_370] : memref<204800x128xf32, #tpu.memory_space<hbm>> -> memref<128x128xf32, #tpu.memory_space<hbm>>
    %dma_start3A_372 = arith.constant 0 : i32
    %dma_start3A_373 = arith.constant 0 : i32
    %dma_start3A_374 = tpu.memref_slice %arg6[%dma_start3A_360, %dma_start3A_372, %dma_start3A_373] : memref<4x128x128xf32, #tpu.memory_space<vmem>> -> memref<1x128x128xf32, #tpu.memory_space<vmem>>
    %dma_start3A_375 = tpu.memref_squeeze %dma_start3A_374 : memref<1x128x128xf32, #tpu.memory_space<vmem>> -> memref<128x128xf32, #tpu.memory_space<vmem>>
    tpu.enqueue_dma source(%dma_start3A_375 : memref<128x128xf32, #tpu.memory_space<vmem>>) target(%dma_start3A_371 : memref<128x128xf32, #tpu.memory_space<hbm>>) target_semaphore(%dma_start3A_369 : memref<!tpu.dma_semaphore, #tpu.memory_space<semaphore_mem>>)
    %dma_wait3A_376 = arith.constant 1 : i32
    %dma_wait3A_377 = arith.constant 1 : i32
    %dma_wait3A_378 = arith.constant 0 : i32
    %dma_wait3A_379 = arith.constant 0 : i32
    %dma_wait3A_380 = tpu.memref_slice %arg6[%dma_wait3A_376, %dma_wait3A_378, %dma_wait3A_379] : memref<4x128x128xf32, #tpu.memory_space<vmem>> -> memref<1x128x128xf32, #tpu.memory_space<vmem>>
    %dma_wait3A_381 = tpu.memref_squeeze %dma_wait3A_380 : memref<1x128x128xf32, #tpu.memory_space<vmem>> -> memref<128x128xf32, #tpu.memory_space<vmem>>
    %dma_wait3A_382 = arith.constant 0 : i32
    %dma_wait3A_383 = tpu.memref_slice %arg4[%add3A_359, %dma_wait3A_382] : memref<204800x128xf32, #tpu.memory_space<hbm>> -> memref<128x128xf32, #tpu.memory_space<hbm>>
    %dma_wait3A_384 = tpu.memref_slice %arg9[%dma_wait3A_377] : memref<4x!tpu.dma_semaphore, #tpu.memory_space<semaphore_mem>> -> memref<1x!tpu.dma_semaphore, #tpu.memory_space<semaphore_mem>>
    %dma_wait3A_385 = tpu.memref_squeeze %dma_wait3A_384 : memref<1x!tpu.dma_semaphore, #tpu.memory_space<semaphore_mem>> -> memref<!tpu.dma_semaphore, #tpu.memory_space<semaphore_mem>>
    %dma_wait3A_386 = arith.constant 0 : i32
    %dma_wait3A_387 = tpu.memref_slice %arg4[%add3A_359, %dma_wait3A_386] : memref<204800x128xf32, #tpu.memory_space<hbm>> -> memref<128x128xf32, #tpu.memory_space<hbm>>
    %dma_wait3A_388 = arith.constant 0 : i32
    %dma_wait3A_389 = arith.constant 0 : i32
    %dma_wait3A_390 = tpu.memref_slice %arg6[%dma_wait3A_376, %dma_wait3A_388, %dma_wait3A_389] : memref<4x128x128xf32, #tpu.memory_space<vmem>> -> memref<1x128x128xf32, #tpu.memory_space<vmem>>
    %dma_wait3A_391 = tpu.memref_squeeze %dma_wait3A_390 : memref<1x128x128xf32, #tpu.memory_space<vmem>> -> memref<128x128xf32, #tpu.memory_space<vmem>>
    tpu.wait_dma2 semaphore(%dma_wait3A_385 : memref<!tpu.dma_semaphore, #tpu.memory_space<semaphore_mem>>) src(%dma_wait3A_391 : memref<128x128xf32, #tpu.memory_space<vmem>>) dst(%dma_wait3A_387 : memref<128x128xf32, #tpu.memory_space<hbm>>)
    return
  }
}

</mosaic_0001>

<sc_bundles>
// kernel: kernel.3.cloned.1.call-start
scs
__scs_entry_jumppad:
0x0: {  	(pc) =	sbr.rel $0x88, $3  }
0x1: {  	(tag) =	ssettag $0x0;
	lr =	simm.s32 $0x1  }
0x2: {  	[smem:$0x3F9F] =	sst lr;
	_ =	strace $0xD0000000  }
0x3: {  	_ = 	snop  }
0x4: {  	_ = 	snop  }
0x5: {  	_ = 	snop  }
0x6: {  	_ = 	snop  }
0x7: {  	_ = 	snop  }
__scs_overlays_trampoline_lowered:
0x8: {  	[smem:$0x3FAE] =	sst s0  }
0x9: {  	[smem:$0x3FAF] =	sst s1  }
0xa: {  	[smem:$0x3FB0] =	sst s2  }
0xb: {  	[smem:$0x3FB1] =	sst s3  }
0xc: {  	[smem:$0x3FB2] =	sst s4  }
0xd: {  	[smem:$0x3FB3] =	sst s5  }
0xe: {  	[smem:$0x3FB4] =	sst s6  }
0xf: {  	[smem:$0x3FB5] =	sst s7  }
0x10: {  	[smem:$0x3FB6] =	sst s8  }
0x11: {  	[smem:$0x3FB7] =	sst s9;
	s0 =	simm.s32 @!p0 $0x0  }
0x12: {  	s1 =	sld [smem:$0x3F9D];
	s0 =	simm.s32 @p0 $0x1  }
0x13: {  	[smem:$0x3FB8] =	sst s0;
	s0 =	simm.s32 @!p1 $0x0  }
0x14: {  	s2 =	sld [smem:$0x3F9C];
	s0 =	simm.s32 @p1 $0x1  }
0x15: {  	[smem:$0x3FB9] =	sst s0;
	s0 =	simm.s32 @!p2 $0x0  }
0x16: {  	s3 =	sld [smem:$0x3FDB];
	s0 =	simm.s32 @p2 $0x1  }
0x17: {  	s4 =	simm.s32 $0x1BF5;
	[smem:$0x3FBB] =	sst s0  }
0x18: {  	s0 =	sld [smem:$0x3F9E];
	_ =	swait.ge [sflag:s4], $0x0  }
0x19: {  	s7 =	sld [smem:$0x3F9F]  }
0x1a: {  	s8 =	sadd.s32 $0xFFFFE003, lr  }
0x1b: {  	s9 =	sadd.s32 $0xFFFFFEF7, lr;
	s5 =	simm.s32 $0xFFFFFFFF;
	p2 =	slt.u32 s8, $0xFFFFF086  }
0x1c: {  	p1 =	slt.u32 s9, $0xF7A;
	s5 =	simm.s32 @!p2 $0x0  }
0x1d: {  	s5 =	simm.s32 @p1 $0x1;
	p0 =	seq.s32 s7, s2  }
0x1e: {  	s7 =	smul.u32 @!p0 $0xF7A, s2;
	p2 =	seq.s32 @!p0 s5, $0x0  }
0x1f: {  	s9 =	smul.u32 $0xF7A, s1;
	s8 =	simm.s32 @!p0 $0x1BF5;
	p2 =	por !p2, p0  }
0x20: {  	[sflag:s8] =	ssyncset.s32 @!p0 $0xFFFFF086;
	s6 =	sadd.s32 @!p0 s3, s7;
	s7 =	simm.s32 @!p0 $0x108  }
0x21: {  	s3 =	sadd.s32 s3, s9;
	s6 =	sadd.s32 @!p0 $0x88, s6;
	s7 =	simm.s32 @p2 $0x1082  }
0x22: {  	[simem:s7], [sflag:s8] =	dma.local @!p0 [hbm:s6], $0xF7A  }
0x23: {  	s9 =	sor.u32 $0xD0000000, s2;
	s6 =	simm.s32 $0x108;
	_ =	swait.ge @!p0 [sflag:s8], $0x0  }
0x24: {  	s3 =	sadd.s32 $0x88, s3;
	s6 =	simm.s32 @!p1 $0x1082;
	[sflag:s4] =	ssyncset.s32 $0xFFFFF086  }
0x25: {  	[simem:s6], [sflag:s4] =	dma.local [hbm:s3], $0xF7A  }
0x26: {  	[smem:$0x3F9F] =	sst s1;
	(tag) =	ssettag s2;
	_ =	strace s9  }
0x27: {  	s1 =	sld [smem:$0x3FAF]  }
0x28: {  	s2 =	sld [smem:$0x3FB0]  }
0x29: {  	s4 =	sld [smem:$0x3FB2]  }
0x2a: {  	p0 =	seq.s32 s5, $0x0;
	s5 =	sld [smem:$0x3FB3]  }
0x2b: {  	s6 =	sld [smem:$0x3FB4]  }
0x2c: {  	s7 =	sld [smem:$0x3FB5]  }
0x2d: {  	s3 =	simm.s32 $0x108;
	s8 =	sld [smem:$0x3FB6]  }
0x2e: {  	s3 =	simm.s32 @!p0 $0x1082;
	s9 =	sld [smem:$0x3FB7]  }
0x2f: {  	lr =	sadd.s32 s0, s3;
	s0 =	sld [smem:$0x3FAE]  }
0x30: {  	s3 =	sld [smem:$0x3FB1]  }
0x31: {  	[smem:$0x3FBA] =	sst s10  }
0x32: {  	s10 =	sld [smem:$0x3FB8];
	_ =	sdelay $0x3  }
0x33: {  	p0 =	seq.s32 s10, $0x1;
	s10 =	sld [smem:$0x3FBA];
	_ =	sdelay $0x3  }
0x34: {  	[smem:$0x3FBA] =	sst s10  }
0x35: {  	s10 =	sld [smem:$0x3FB9];
	_ =	sdelay $0x3  }
0x36: {  	p1 =	seq.s32 s10, $0x1;
	s10 =	sld [smem:$0x3FBA];
	_ =	sdelay $0x3  }
0x37: {  	[smem:$0x3FBA] =	sst s10  }
0x38: {  	s10 =	sld [smem:$0x3FBB]  }
0x39: {  	_ = 	snop;
	(pc) =	sbr.ind lr, $3  }
0x3a: {  	_ = 	snop  }
0x3b: {  	_ = 	snop  }
0x3c: {  	p2 =	seq.s32 s10, $0x1;
	s10 =	sld [smem:$0x3FBA]  }
0x3d: {  	_ =	shalt  }
0x3e: {  	_ =	shalt  }
0x3f: {  	_ =	shalt  }
0x40: {  	_ =	shalt  }
0x41: {  	_ =	shalt  }
0x42: {  	_ =	shalt  }
0x43: {  	_ =	shalt  }
0x44: {  	_ =	shalt  }
0x45: {  	_ =	shalt  }
0x46: {  	_ =	shalt  }
0x47: {  	_ =	shalt  }
0x48: {  	_ =	shalt  }
0x49: {  	_ =	shalt  }
0x4a: {  	_ =	shalt  }
0x4b: {  	_ =	shalt  }
0x4c: {  	_ =	shalt  }
0x4d: {  	_ =	shalt  }
0x4e: {  	_ =	shalt  }
0x4f: {  	_ =	shalt  }
0x50: {  	_ =	shalt  }
0x51: {  	_ =	shalt  }
0x52: {  	_ =	shalt  }
0x53: {  	_ =	shalt  }
0x54: {  	_ =	shalt  }
0x55: {  	_ =	shalt  }
0x56: {  	_ =	shalt  }
0x57: {  	_ =	shalt  }
0x58: {  	_ =	shalt  }
0x59: {  	_ =	shalt  }
0x5a: {  	_ =	shalt  }
0x5b: {  	_ =	shalt  }
0x5c: {  	_ =	shalt  }
0x5d: {  	_ =	shalt  }
0x5e: {  	_ =	shalt  }
0x5f: {  	_ =	shalt  }
0x60: {  	_ =	shalt  }
0x61: {  	_ =	shalt  }
0x62: {  	_ =	shalt  }
0x63: {  	_ =	shalt  }
0x64: {  	_ =	shalt  }
0x65: {  	_ =	shalt  }
0x66: {  	_ =	shalt  }
0x67: {  	_ =	shalt  }
0x68: {  	_ =	shalt  }
0x69: {  	_ =	shalt  }
0x6a: {  	_ =	shalt  }
0x6b: {  	_ =	shalt  }
0x6c: {  	_ =	shalt  }
0x6d: {  	_ =	shalt  }
0x6e: {  	_ =	shalt  }
0x6f: {  	_ =	shalt  }
0x70: {  	_ =	shalt  }
0x71: {  	_ =	shalt  }
0x72: {  	_ =	shalt  }
0x73: {  	_ =	shalt  }
0x74: {  	_ =	shalt  }
0x75: {  	_ =	shalt  }
0x76: {  	_ =	shalt  }
0x77: {  	_ =	shalt  }
0x78: {  	_ =	shalt  }
0x79: {  	_ =	shalt  }
0x7a: {  	_ =	shalt  }
0x7b: {  	_ =	shalt  }
0x7c: {  	_ =	shalt  }
0x7d: {  	_ =	shalt  }
0x7e: {  	_ =	shalt  }
0x7f: {  	_ =	shalt  }
0x80: {  	_ =	shalt  }
0x81: {  	_ =	shalt  }
0x82: {  	_ =	shalt  }
0x83: {  	_ =	shalt  }
0x84: {  	_ =	shalt  }
0x85: {  	_ =	shalt  }
0x86: {  	_ =	shalt  }
0x87: {  	_ =	shalt  }
.Lfunc_end0:
.L_simem_size_0:
called_computation_lowered:
.L_overlay_start_0:
0x88: {  	s2 =	sld [smem:$0x3FD9]  }
0x89: {  	s3 =	sld [smem:$0x3FFE];
	_ =	sdelay $0x1  }
0x8a: {  	s1 =	srdreg.scid  }
0x8b: {  	s0 =	sand.u32 $0x1, s1  }
0x8c: {  	s18 =	sshll.u32 s0, $0xA;
	s2 =	sadd.s32 s3, s2  }
0x8d: {  	s2 =	sadd.s32 s2, s18  }
0x8e: {  	[smem:$0x3FC6] =	sst s2  }
0x8f: {  	_ = 	snop  }
0x90: {  	s2 =	sld [smem:$0x3FC9]  }
0x91: {  	s19 =	sld [smem:$0x3FC8]  }
0x92: {  	s4 =	sld [smem:$0x3FD0];
	(tm) =	ssettm $0x1  }
0x93: {  	s5 =	sld [smem:$0x3FFB];
	_ =	sdelay $0x3  }
0x94: {  	_ =	strace s5  }
0x95: {  	s5 =	sld [smem:$0x3FFC];
	_ =	sdelay $0x3  }
0x96: {  	_ =	strace s5  }
0x97: {  	s5 =	sld [smem:$0x3FFD];
	_ =	sdelay $0x3  }
0x98: {  	_ =	strace s5  }
0x99: {  	_ =	strace $0x8FFFFFFF  }
0x9a: {  	s20 =	sld [smem:$0x3FDB];
	_ =	sdelay $0x1  }
0x9b: {  	s6 =	simm.s32 $_scs_section_size  }
0x9c: {  	s7 =	simm.s32 $_size__tile_overlayer_lowered;
	s8 =	simm.s32 $_tile_overlayer_lowered  }
0x9d: {  	s23 =	simm.s32 $0x1BFF;
	s22 =	sshll.u32 s8, $0x1;
	s5 =	sadd.s32 s6, s20  }
0x9e: {  	s9 =	simm.s32 $0x0;
	s21 =	sshll.u32 s7, $0x1;
	s7 =	sadd.s32 s22, s5  }
0x9f: {  	[timem:s9], [sflag:s23] =	dma.local [hbm:s7], s21  }
0xa0: {  	_ =	swait.ge [sflag:s23], s21  }
0xa1: {  	s6 =	ssub.s32 $0x0, s21;
	[sflag:s23] =	ssyncset.done $0x0  }
0xa2: {  	[sflag:s23] =	ssyncadd.s32 s6;
	_ =	sdelay $0x1  }
0xa3: {  	s24 =	simm.s32 $0x1B8B  }
0xa4: {  	_ =	swait.ge [sflag:s24], $0x1  }
0xa5: {  	[sflag:s24] =	ssyncset.done $0x0  }
0xa6: {  	s25 =	simm.s32 $0x1B8E;
	[sflag:s24] =	ssyncadd.s32 $0xFFFFFFFF  }
0xa7: {  	s26 =	simm.s32 $execute0_lowered;
	[smem:$0x3FD2] =	sst s25  }
0xa8: {  	s6 =	sshll.u32 s26, $0x1;
	_ =	strace $0x80000046;
	[dreg:$0x1] =	wrdreg $0xFFFFFFFF  }
0xa9: {  	s28 =	simm.s32 $_size_execute0_lowered;
	s5 =	sadd.s32 s5, s6;
	[dreg:$0x0] =	wrdreg $0x0  }
0xaa: {  	s6 =	sshll.u32 s28, $0x1;
	[dreg:$0x2] =	wrdreg s5  }
0xab: {  	[dreg:$0x3] =	wrdreg s6  }
0xac: {  	[dreg:$0x4] =	wrdreg $0xC0  }
0xad: {  	_ =	task [dreg:s9], $0x5FFFF  }
0xae: {  	[dreg:$0x1] =	wrdreg $0xFFFFFFFF  }
0xaf: {  	[dreg:$0x0] =	wrdreg $0x60  }
0xb0: {  	[dreg:$0x2] =	wrdreg s19  }
0xb1: {  	[dreg:$0x3] =	wrdreg s2  }
0xb2: {  	[dreg:$0x4] =	wrdreg s4  }
0xb3: {  	[dreg:$0x5] =	wrdreg $0x11C000  }
0xb4: {  	[dreg:$0x6] =	wrdreg $0x9  }
0xb5: {  	_ =	task.clear_ibuf [dreg:s9], $0x7FFFF;
	_ =	strace $0x90000046  }
0xb6: {  	s29 =	simm.s32 $0x9;
	_ =	strace $0x80000048  }
0xb7: {  	_ =	swait.ge [sflag:s29], $0x1  }
0xb8: {  	[sflag:s29] =	ssyncadd.s32 $0xFFFFFFFF  }
0xb9: {  	_ =	strace $0x90000048  }
0xba: {  	_ =	sfence  }
0xbb: {  	s30 =	sld [smem:$0x0];
	_ =	sdelay $0x2  }
0xbc: {  	s31 =	sshll.u32 s1, $0xD;
	s1 =	sshrl.u32 s1, $0x2  }
0xbd: {  	s3 =	sand.u32 $0x4000, s31;
	s1 =	sadd.s32 s1, s30  }
0xbe: {  	s0 =	sor.u32 s3, s0;
	s1 =	sshll.u32 s1, $0x11  }
0xbf: {  	s0 =	sor.u32 s1, s0  }
0xc0: {  	s0 =	sadd.s32 $0x8F2B, s0  }
0xc1: {  	[sflag:s0] =	ssyncadd.remote.s32 $0x1  }
0xc2: {  	_ =	sfence.sel $0xFFFF  }
0xc3: {  	[dreg:$0x0] =	wrdreg $0xFFFFFFFF;
	(pc) =	sbr.abs _section_cstart, $3  }
0xc4: {  	[dreg:$0x1] =	wrdreg $0xFFFFFFFF  }
0xc5: {  	_ =	task.clear_ibuf [dreg:s9], $0x2FFFF;
	_ =	strace $0x9FFFFFFF  }
0xc6: {  	(tm) =	ssettm $0x7FFFFFFF  }
0xc7: {  	_ =	shalt  }
tec
execute0_lowered:
.L_overlay_start_1:
0x0: {  	(tag) =	ssettag $0x1  }
0x1: {  	s0 =	rddreg [dreg:$0x1]  }
0x2: {  	s1 =	rddreg [dreg:$0x2];
	s3 =	srdreg.scid  }
0x3: {  	s2 =	rddreg [dreg:$0x3];
	s5 =	stileid.u32  }
0x4: {  	s17 =	simm.s32 $0x1800;
	s18 =	simm.s32 $0x9;
	s19 =	simm.s32 $0x80  }
0x5: {  	s20 =	simm.s32 $0x1C00;
	s21 =	simm.s32 $0x5C00;
	s28 =	simm.s32 $0x5  }
0x6: {  	s29 =	simm.s32 $0x2;
	s30 =	simm.s32 $0x6;
	s31 =	simm.s32 $0x3  }
0x7: {  	s14 =	simm.s32 $0x8;
	s12 =	sand.u32 $0x1, s3;
	s4 =	sshll.u32 s5, $0x8  }
0x8: {  	s3 =	simm.s32 $0x0;
	s25 =	sshll.u32 s5, $0xC;
	p0 =	sne.s32 s5, $0x0  }
0x9: {  	s6 =	sshll.u32 s12, $0x7;
	s7 =	ssub.s32 $0x2, s12;
	[smem:$0x7FF] =	sst s3  }
0xa: {  	s26 =	sshll.u32 s12, $0xB;
	s13 =	sshrl.u32 @!p0 s2, $0x3;
	s4 =	sor.u32 s6, s4  }
0xb: {  	s22 =	sshrl.u32 s7, $0x1;
	_ =	strace $0x80000047;
	s8 =	sshll.u32 s4, $0x4  }
0xc: {  	s11 =	ssub.s32 s7, s22;
	s4 =	sadd.s32 s0, s4;
	s0 =	sadd.s32 s25, s1  }
0xd: {  	s25 =	simm.s32 $0xDC00;
	s22 =	simm.s32 $0x0;
	s10 =	sadd.s32 s8, s1  }
0xe: {  	s11 =	smax.u32 s11, $0x1;
	s12 =	sadd.s32 s26, s0;
	s16 =	sadd.s32 $0x6000, s4  }
0xf: {  	s26 =	simm.s32 $0x1;
	s1 =	simm.s32 $0x7;
	s0 =	simm.s32 $0x4  }
0x10: {  	s23 =	sadd.s32 $0x2C0000, s10;
	s24 =	sadd.s32 $0x2D0000, s10;
	s7 =	sadd.s32 $0x2E0000, s10  }
0x11: {  	s8 =	sadd.s32 $0x2F0000, s10;
	s9 =	sadd.s32 $0x300000, s10;
	[dreg:$0x5] =	wrdreg s23  }
0x12: {  	s10 =	sadd.s32 $0x310000, s10;
	[dreg:$0x6] =	wrdreg s24;
	s23 =	simm.s32 $0x9C00  }
.LBB2_1:
0x13: {  	s5 =	simm.s32 @!p0 $0x1C09;
	s6 =	rddreg [dreg:$0x0]  }
0x14: {  	[spmem:s13], [sflag:s5] =	dma.local @!p0 [hbm:s6], $0x3E80  }
0x15: {  	s5 =	simm.s32 @!p0 $0x9  }
0x16: {  	_ =	swait.ge @!p0 [sflag:s5], $0x3E80  }
0x17: {  	[sflag:s5] =	ssyncset.done @!p0 $0x0  }
0x18: {  	s15 =	simm.s32 $0x400;
	s24 =	simm.s32 $0x8000;
	[sflag:s5] =	ssyncadd.s32 @!p0 $0xFFFFC180  }
0x19: {  	[tilespmem:s3], [sflag:$0x9] =	stream.strided.gather [hbm4b:s4+s15], $0x1800, s24, s15, $0x38;
	[tilespmem:$0x13B40] =	vst v63  }
0x1a: {  	_ = 	snop  }
0x1b: {  	[tilespmem:s17], [sflag:$0x9] =	stream.linear.gather [hbm4b:s16+s3], $0x100, $0x38;
	[tilespmem:$0x13B40] =	vst v63  }
0x1c: {  	_ =	swait.ge [sflag:s18], $0x1900  }
0x1d: {  	[sflag:s18] =	ssyncset.done $0x0  }
0x1e: {  	[sflag:s18] =	ssyncadd.s32 $0xFFFFE700  }
0x1f: {  	[bflag:$0x0] =	sbarrier.arrive $0xFFFF  }
0x20: {  	[tilespmem:s20], [sflag:$0x1] =	stream.indirect.gather [spmem:s2], $0x80, s3, s19, $0xb8;
	[tilespmem:$0x13B40] =	vst v63  }
0x21: {  	_ = 	snop  }
0x22: {  	[tilespmem:s21], [sflag:$0x2] =	stream.indirect.gather [spmem:s2], $0x80, s19, s19, $0xb8;
	[tilespmem:$0x13B40] =	vst v63  }
0x23: {  	s15 =	simm.s32 $0x100  }
0x24: {  	[tilespmem:s23], [sflag:$0x3] =	stream.indirect.gather [spmem:s2], $0x80, s15, s19, $0xb8;
	[tilespmem:$0x13B40] =	vst v63  }
0x25: {  	s24 =	simm.s32 $0x180  }
0x26: {  	[tilespmem:s25], [sflag:$0x4] =	stream.indirect.gather [spmem:s2], $0x80, s24, s19, $0xb8;
	[tilespmem:$0x13B40] =	vst v63  }
0x27: {  	_ =	swait.ge [sflag:s26], $0x4000  }
0x28: {  	[sflag:s26] =	ssyncset.done $0x0  }
0x29: {  	[sflag:s26] =	ssyncadd.s32 $0xFFFFC000  }
0x2a: {  	[hbm4b:s12+s3] =	stream.linear.scatter [tilespmem:s20], [sflag:$0x5], $0x4000, $0x38;
	[tilespmem:$0x13B40] =	vst v63  }
0x2b: {  	_ =	swait.ge [sflag:s28], $0x4000  }
0x2c: {  	[sflag:s28] =	ssyncset.done $0x0  }
0x2d: {  	s6 =	simm.s32 $0x200;
	[sflag:s28] =	ssyncadd.s32 $0xFFFFC000  }
0x2e: {  	[tilespmem:s20], [sflag:$0x1] =	stream.indirect.gather [spmem:s2], $0x80, s6, s19, $0xb8;
	[tilespmem:$0x13B40] =	vst v63  }
0x2f: {  	_ =	swait.ge [sflag:s29], $0x4000  }
0x30: {  	[sflag:s29] =	ssyncset.done $0x0  }
0x31: {  	s15 =	sadd.s32 $0x10000, s12;
	[sflag:s29] =	ssyncadd.s32 $0xFFFFC000  }
0x32: {  	[hbm4b:s15+s3] =	stream.linear.scatter [tilespmem:s21], [sflag:$0x6], $0x4000, $0x38;
	[tilespmem:$0x13B40] =	vst v63  }
0x33: {  	_ =	swait.ge [sflag:s30], $0x4000  }
0x34: {  	[sflag:s30] =	ssyncset.done $0x0  }
0x35: {  	s24 =	simm.s32 $0x280;
	[sflag:s30] =	ssyncadd.s32 $0xFFFFC000  }
0x36: {  	[tilespmem:s21], [sflag:$0x2] =	stream.indirect.gather [spmem:s2], $0x80, s24, s19, $0xb8;
	[tilespmem:$0x13B40] =	vst v63  }
0x37: {  	_ =	swait.ge [sflag:s31], $0x4000  }
0x38: {  	[sflag:s31] =	ssyncset.done $0x0  }
0x39: {  	s6 =	sadd.s32 $0x20000, s12;
	[sflag:s31] =	ssyncadd.s32 $0xFFFFC000  }
0x3a: {  	[hbm4b:s6+s3] =	stream.linear.scatter [tilespmem:s23], [sflag:$0x7], $0x4000, $0x38;
	[tilespmem:$0x13B40] =	vst v63  }
0x3b: {  	_ =	swait.ge [sflag:s1], $0x4000  }
0x3c: {  	[sflag:s1] =	ssyncset.done $0x0  }
0x3d: {  	s15 =	simm.s32 $0x300;
	[sflag:s1] =	ssyncadd.s32 $0xFFFFC000  }
0x3e: {  	[tilespmem:s23], [sflag:$0x3] =	stream.indirect.gather [spmem:s2], $0x80, s15, s19, $0xb8;
	[tilespmem:$0x13B40] =	vst v63  }
0x3f: {  	_ =	swait.ge [sflag:s0], $0x4000  }
0x40: {  	[sflag:s0] =	ssyncset.done $0x0  }
0x41: {  	s24 =	sadd.s32 $0x30000, s12;
	[sflag:s0] =	ssyncadd.s32 $0xFFFFC000  }
0x42: {  	[hbm4b:s24+s3] =	stream.linear.scatter [tilespmem:s25], [sflag:$0x8], $0x4000, $0x38;
	[tilespmem:$0x13B40] =	vst v63  }
0x43: {  	_ =	swait.ge [sflag:s14], $0x4000  }
0x44: {  	s5 =	simm.s32 $0x380;
	[sflag:s14] =	ssyncset.done $0x0  }
0x45: {  	s15 =	sadd.s32 $0x40000, s12;
	s24 =	simm.s32 $0x800;
	[sflag:s14] =	ssyncadd.s32 $0xFFFFC000  }
.LBB2_2:
0x46: {  	[tilespmem:s25], [sflag:$0x4] =	stream.indirect.gather [spmem:s2], $0x80, s5, s19, $0xb8;
	[tilespmem:$0x13B40] =	vst v63  }
0x47: {  	s5 =	smov.u32 s24  }
0x48: {  	p1 =	sne.s32 s24, $0x5000;
	s24 =	sadd.s32 $0x800, s24;
	_ =	swait.ge [sflag:s26], $0x4000  }
0x49: {  	[sflag:s26] =	ssyncset.done $0x0  }
0x4a: {  	[sflag:s26] =	ssyncadd.s32 $0xFFFFC000  }
0x4b: {  	[hbm4b:s15+s3] =	stream.linear.scatter [tilespmem:s20], [sflag:$0x5], $0x4000, $0x38;
	[tilespmem:$0x13B40] =	vst v63  }
0x4c: {  	_ =	swait.ge [sflag:s28], $0x4000  }
0x4d: {  	s5 =	sshra.s32 s5, $0x2;
	[sflag:s28] =	ssyncset.done $0x0  }
0x4e: {  	s6 =	sadd.s32 $0x200, s5;
	[sflag:s28] =	ssyncadd.s32 $0xFFFFC000  }
0x4f: {  	[tilespmem:s20], [sflag:$0x1] =	stream.indirect.gather [spmem:s2], $0x80, s6, s19, $0xb8;
	[tilespmem:$0x13B40] =	vst v63  }
0x50: {  	_ =	swait.ge [sflag:s29], $0x4000  }
0x51: {  	[sflag:s29] =	ssyncset.done $0x0  }
0x52: {  	s6 =	sadd.s32 $0x10000, s15;
	[sflag:s29] =	ssyncadd.s32 $0xFFFFC000  }
0x53: {  	[hbm4b:s6+s3] =	stream.linear.scatter [tilespmem:s21], [sflag:$0x6], $0x4000, $0x38;
	[tilespmem:$0x13B40] =	vst v63  }
0x54: {  	_ =	swait.ge [sflag:s30], $0x4000  }
0x55: {  	[sflag:s30] =	ssyncset.done $0x0  }
0x56: {  	s6 =	sadd.s32 $0x280, s5;
	[sflag:s30] =	ssyncadd.s32 $0xFFFFC000  }
0x57: {  	[tilespmem:s21], [sflag:$0x2] =	stream.indirect.gather [spmem:s2], $0x80, s6, s19, $0xb8;
	[tilespmem:$0x13B40] =	vst v63  }
0x58: {  	_ =	swait.ge [sflag:s31], $0x4000  }
0x59: {  	[sflag:s31] =	ssyncset.done $0x0  }
0x5a: {  	s6 =	sadd.s32 $0x20000, s15;
	[sflag:s31] =	ssyncadd.s32 $0xFFFFC000  }
0x5b: {  	[hbm4b:s6+s3] =	stream.linear.scatter [tilespmem:s23], [sflag:$0x7], $0x4000, $0x38;
	[tilespmem:$0x13B40] =	vst v63  }
0x5c: {  	_ =	swait.ge [sflag:s1], $0x4000  }
0x5d: {  	[sflag:s1] =	ssyncset.done $0x0  }
0x5e: {  	s6 =	sadd.s32 $0x300, s5;
	[sflag:s1] =	ssyncadd.s32 $0xFFFFC000  }
0x5f: {  	[tilespmem:s23], [sflag:$0x3] =	stream.indirect.gather [spmem:s2], $0x80, s6, s19, $0xb8;
	[tilespmem:$0x13B40] =	vst v63  }
0x60: {  	_ =	swait.ge [sflag:s0], $0x4000  }
0x61: {  	[sflag:s0] =	ssyncset.done $0x0  }
.Ltmp0:
0x62: {  	s6 =	sadd.s32 $0x30000, s15;
	[sflag:s0] =	ssyncadd.s32 $0xFFFFC000;
	(pc) =	sbr.rel @p1 .LBB2_2-.Ltmp0, $4  }
0x63: {  	[hbm4b:s6+s3] =	stream.linear.scatter [tilespmem:s25], [sflag:$0x8], $0x4000, $0x38;
	[tilespmem:$0x13B40] =	vst v63  }
0x64: {  	_ =	swait.ge [sflag:s14], $0x4000  }
0x65: {  	[sflag:s14] =	ssyncset.done $0x0  }
0x66: {  	s5 =	sadd.s32 $0x380, s5;
	s15 =	sadd.s32 $0x40000, s15;
	[sflag:s14] =	ssyncadd.s32 $0xFFFFC000  }
0x67: {  	[tilespmem:s25], [sflag:$0x4] =	stream.indirect.gather [spmem:s2], $0x80, s5, s19, $0xb8;
	[tilespmem:$0x13B40] =	vst v63  }
0x68: {  	_ =	swait.ge [sflag:s26], $0x4000  }
0x69: {  	[sflag:s26] =	ssyncset.done $0x0  }
0x6a: {  	s6 =	rddreg [dreg:$0x5];
	[sflag:s26] =	ssyncadd.s32 $0xFFFFC000  }
0x6b: {  	[hbm4b:s6+s3] =	stream.linear.scatter [tilespmem:s20], [sflag:$0x5], $0x4000, $0x38;
	[tilespmem:$0x13B40] =	vst v63  }
0x6c: {  	_ =	swait.ge [sflag:s28], $0x4000  }
0x6d: {  	[sflag:s28] =	ssyncset.done $0x0  }
0x6e: {  	[sflag:s28] =	ssyncadd.s32 $0xFFFFC000  }
0x6f: {  	[tilespmem:s20], [sflag:$0x1] =	stream.indirect.gather [spmem:s2], $0x80, s17, s19, $0xb8;
	[tilespmem:$0x13B40] =	vst v63  }
0x70: {  	_ =	swait.ge [sflag:s29], $0x4000  }
0x71: {  	[sflag:s29] =	ssyncset.done $0x0  }
0x72: {  	s15 =	rddreg [dreg:$0x6];
	[sflag:s29] =	ssyncadd.s32 $0xFFFFC000  }
0x73: {  	[hbm4b:s15+s3] =	stream.linear.scatter [tilespmem:s21], [sflag:$0x6], $0x4000, $0x38;
	[tilespmem:$0x13B40] =	vst v63  }
0x74: {  	_ =	swait.ge [sflag:s30], $0x4000  }
0x75: {  	[sflag:s30] =	ssyncset.done $0x0  }
0x76: {  	s24 =	simm.s32 $0x1880;
	[sflag:s30] =	ssyncadd.s32 $0xFFFFC000  }
0x77: {  	[tilespmem:s21], [sflag:$0x2] =	stream.indirect.gather [spmem:s2], $0x80, s24, s19, $0xb8;
	[tilespmem:$0x13B40] =	vst v63  }
0x78: {  	_ =	swait.ge [sflag:s31], $0x4000  }
0x79: {  	[sflag:s31] =	ssyncset.done $0x0  }
0x7a: {  	[sflag:s31] =	ssyncadd.s32 $0xFFFFC000  }
0x7b: {  	[hbm4b:s7+s3] =	stream.linear.scatter [tilespmem:s23], [sflag:$0x7], $0x4000, $0x38;
	[tilespmem:$0x13B40] =	vst v63  }
0x7c: {  	_ =	swait.ge [sflag:s1], $0x4000  }
0x7d: {  	[sflag:s1] =	ssyncset.done $0x0  }
0x7e: {  	[sflag:s1] =	ssyncadd.s32 $0xFFFFC000  }
0x7f: {  	_ =	swait.ge [sflag:s0], $0x4000  }
0x80: {  	[sflag:s0] =	ssyncset.done $0x0  }
0x81: {  	[sflag:s0] =	ssyncadd.s32 $0xFFFFC000  }
0x82: {  	[hbm4b:s8+s3] =	stream.linear.scatter [tilespmem:s25], [sflag:$0x8], $0x4000, $0x38;
	[tilespmem:$0x13B40] =	vst v63  }
0x83: {  	_ =	swait.ge [sflag:s14], $0x4000  }
0x84: {  	[sflag:s14] =	ssyncset.done $0x0  }
0x85: {  	[sflag:s14] =	ssyncadd.s32 $0xFFFFC000  }
0x86: {  	_ =	swait.ge [sflag:s26], $0x4000  }
0x87: {  	[sflag:s26] =	ssyncset.done $0x0  }
0x88: {  	[sflag:s26] =	ssyncadd.s32 $0xFFFFC000  }
0x89: {  	[hbm4b:s9+s3] =	stream.linear.scatter [tilespmem:s20], [sflag:$0x5], $0x4000, $0x38;
	[tilespmem:$0x13B40] =	vst v63  }
0x8a: {  	_ =	swait.ge [sflag:s28], $0x4000  }
0x8b: {  	[sflag:s28] =	ssyncset.done $0x0  }
0x8c: {  	[sflag:s28] =	ssyncadd.s32 $0xFFFFC000  }
0x8d: {  	s22 =	sadd.s32 $0x1, s22;
	_ =	swait.ge [sflag:s29], $0x4000  }
0x8e: {  	p1 =	sne.s32 s22, s11;
	[sflag:s29] =	ssyncset.done $0x0  }
.Ltmp1:
0x8f: {  	[sflag:s29] =	ssyncadd.s32 $0xFFFFC000;
	(pc) =	sbr.rel @p1 .LBB2_1-.Ltmp1, $4  }
0x90: {  	[hbm4b:s10+s3] =	stream.linear.scatter [tilespmem:s21], [sflag:$0x6], $0x4000, $0x38;
	[tilespmem:$0x13B40] =	vst v63  }
0x91: {  	_ =	swait.ge [sflag:s30], $0x4000  }
0x92: {  	[sflag:s30] =	ssyncset.done $0x0  }
0x93: {  	[sflag:s30] =	ssyncadd.s32 $0xFFFFC000  }
0x94: {  	_ =	sfence.sel $0x180000  }
0x95: {  	[bflag:$0x0] =	sbarrier.arrive $0xFFFF  }
0x96: {  	_ =	strace $0x90000047  }
0x97: {  	[bflag:$0x2] =	sbarrier.arrive $0xFFFF  }
0x98: {  	s0 =	rddreg [dreg:$0x4]  }
0x99: {  	s0 =	sadd.s32 @!p0 $0x100000, s0  }
0x9a: {  	[sflag:s0] =	ssyncadd.tile.s32 @!p0 $0x1;
	_ =	shalt  }
.Lfunc_end2:
_tile_overlayer_lowered:
.L_overlay_start_2:
0x9b: {  	(tag) =	ssettag $0x2  }
0x9c: {  	s0 =	rddreg [dreg:$0x0];
	s2 =	stileid.u32  }
0x9d: {  	s1 =	rddreg [dreg:$0x1];
	p0 =	sne.s32 s2, $0x0  }
0x9e: {  	s3 =	rddreg [dreg:$0x2];
	[bflag:$0x3] =	sbarrier.arrive $0xFFFF;
	s2 =	simm.s32 @!p0 $0x1C09  }
0x9f: {  	[timem:s3], [sflag:s2] =	dma.local @!p0 [hbm:s0], s1  }
0xa0: {  	s0 =	simm.s32 @!p0 $0x9  }
0xa1: {  	_ =	swait.ge @!p0 [sflag:s0], s1  }
0xa2: {  	s1 =	ssub.s32 @!p0 $0x0, s1;
	[sflag:s0] =	ssyncset.done @!p0 $0x0  }
0xa3: {  	[sflag:s0] =	ssyncadd.s32 @!p0 s1  }
0xa4: {  	[bflag:$0x3] =	sbarrier.arrive $0xFFFF  }
0xa5: {  	_ =	shalt  }

</sc_bundles>
